<compile_context>
chip_gen: v7x
topology: tpu7x:2x2x1
jax: 0.10.2.dev20260603
libtpu: 0.0.44.dev20260713+nightly
codegen_flags: <defaults>
</compile_context>

<pallas_src>
import functools

import jax
import jax.numpy as jnp
from jax import lax
from jax.experimental import pallas as pl
from jax.experimental.pallas import tpu as pltpu
from jax.experimental.pallas import tpu_sc as plsc

N_ROWS = 100000
FEA = 92
W = 96
CHUNK = 400
N_CHUNKS = N_ROWS // CHUNK
SUBS = (0, 128, 256, 384)
SUB_SIZES = (128, 128, 128, 16)

_info = plsc.get_sparse_core_info()
_NC, _NS = _info.num_cores, _info.num_subcores
N_WORKERS = _NC * _NS


def _sc_lookup(x, table_pad):
    mesh = plsc.VectorSubcoreMesh(core_axis_name="c", subcore_axis_name="s")

    @functools.partial(
        pl.kernel,
        out_type=jax.ShapeDtypeStruct((N_ROWS, W), jnp.float32),
        mesh=mesh,
        scratch_types=[
            pltpu.VMEM((CHUNK,), jnp.int32),
            pltpu.VMEM((CHUNK,), jnp.int32),
            pltpu.VMEM((CHUNK, W), jnp.float32),
            pltpu.VMEM((CHUNK, W), jnp.float32),
            pltpu.VMEM_SHARED((102, W), jnp.float32),
            pltpu.SemaphoreType.DMA,
            pltpu.SemaphoreType.DMA,
            pltpu.SemaphoreType.DMA,
            pltpu.SemaphoreType.DMA,
            pltpu.SemaphoreType.DMA,
        ],
        compiler_params=pltpu.CompilerParams(use_tc_tiling_on_sc=False),
    )
    def k(idx_hbm, table_hbm, out_hbm, idx0, idx1, rows0, rows1, tab_sh,
          gsem, isem0, isem1, sem0, sem1):
        wid = lax.axis_index("s") * _NC + lax.axis_index("c")

        n_extra = N_CHUNKS - 7 * N_WORKERS
        nj = 7 + jnp.where(wid < n_extra, 1, 0)

        def idx_src(j):
            c = wid + N_WORKERS * j
            return idx_hbm.at[pl.ds(c * CHUNK, CHUNK)]

        def prefetch(j, buf, isem):
            pltpu.async_copy(idx_src(j), buf, isem)

        def gather(idx_v, isem, rows):
            pltpu.make_async_copy(idx_src(0), idx_v, isem).wait()
            descs = []
            for s, n in zip(SUBS, SUB_SIZES):
                descs.append(
                    pltpu.async_copy(
                        tab_sh.at[idx_v.at[pl.ds(s, n)]],
                        rows.at[pl.ds(s, n), :],
                        gsem,
                    )
                )
            for d in descs:
                d.wait()

        prefetch(0, idx0, isem0)

        pltpu.sync_copy(table_hbm, tab_sh)

        def body(j, carry):
            c = wid + N_WORKERS * j
            dst = out_hbm.at[pl.ds(c * CHUNK, CHUNK), :]

            @pl.when(j + 1 < nj)
            def _():
                @pl.when(j % 2 == 0)
                def _():
                    prefetch(j + 1, idx1, isem1)

                @pl.when(j % 2 == 1)
                def _():
                    prefetch(j + 1, idx0, isem0)

            @pl.when(j % 2 == 0)
            def _():
                @pl.when(j >= 2)
                def _():
                    pltpu.make_async_copy(rows0, dst, sem0).wait()
                gather(idx0, isem0, rows0)
                pltpu.async_copy(rows0, dst, sem0)

            @pl.when(j % 2 == 1)
            def _():
                @pl.when(j >= 2)
                def _():
                    pltpu.make_async_copy(rows1, dst, sem1).wait()
                gather(idx1, isem1, rows1)
                pltpu.async_copy(rows1, dst, sem1)

            return carry

        lax.fori_loop(0, nj, body, 0)

        dst0 = out_hbm.at[pl.ds(wid * CHUNK, CHUNK), :]

        @pl.when(nj >= 1)
        def _():
            pltpu.make_async_copy(rows0, dst0, sem0).wait()

        @pl.when(nj >= 2)
        def _():
            pltpu.make_async_copy(rows1, dst0, sem1).wait()

    return k(x, table_pad)


def kernel(x, atom_fea):
    table = jnp.pad(atom_fea, ((0, 0), (0, W - FEA)))
    out = _sc_lookup(x, table)
    return out[:, :FEA]

# --- scband reference (transcript-rebuilt; emitter-appended) ---
"""Pipeline reference for scband-atom-featurizer-24704651887017 (READ-ONLY COPY).

The authoritative reference and input builder live on the scoring server;
editing this copy changes nothing except your own understanding.
"""

import jax, jax.numpy as jnp
import numpy as np

NUM_ATOMS = 100
FEA_DIM = 92
N_NODES = 100000


def setup_inputs(seed: int = 0) -> dict:
    key = jax.random.key(seed)
    k1, k2 = jax.random.split(key)
    # indices into the atom feature table (atomic numbers), values in [0, 102)
    x = jax.random.randint(k1, (N_NODES,), 0, NUM_ATOMS + 2, dtype=jnp.int32)
    # emulate atom_init.json: binary one-hot-ish property vectors per element
    mid = (jax.random.uniform(k2, (NUM_ATOMS, FEA_DIM)) < 0.1).astype(jnp.float32)
    atom_fea = jnp.vstack([jnp.zeros((1, FEA_DIM), dtype=jnp.float32), mid, jnp.ones((1, FEA_DIM), dtype=jnp.float32)])
    return {"x": x, "atom_fea": atom_fea}


def reference(x, atom_fea):
    # torch: torch.squeeze(self.atom_fea[x.long()])
    out = jnp.take(atom_fea, x.astype(jnp.int32), axis=0)
    return jnp.squeeze(out)

if __name__ == "__main__":
    import jax
    _d = setup_inputs()
    print(jax.jit(kernel)(*tuple(_d.values())))

</pallas_src>

<mosaic_0001>
#map = affine_map<(d0, d1) -> (0)>
#map1 = affine_map<(d0, d1) -> (0, 0)>
module attributes {stable_mosaic.version = 14 : i64} {
  func.func @k(%arg0: i32, %arg1: i32, %arg2: memref<100000xi32, #tpu.memory_space<hbm>>, %arg3: memref<102x96xf32, #tpu.memory_space<hbm>>, %arg4: memref<100000x96xf32, #tpu.memory_space<hbm>>, %arg5: memref<400xi32, #tpu.memory_space<vmem>>, %arg6: memref<400xi32, #tpu.memory_space<vmem>>, %arg7: memref<400x96xf32, #tpu.memory_space<vmem>>, %arg8: memref<400x96xf32, #tpu.memory_space<vmem>>, %arg9: memref<102x96xf32, #tpu.memory_space<vmem_shared>>, %arg10: memref<!tpu.dma_semaphore, #tpu.memory_space<semaphore_mem>>, %arg11: memref<!tpu.dma_semaphore, #tpu.memory_space<semaphore_mem>>, %arg12: memref<!tpu.dma_semaphore, #tpu.memory_space<semaphore_mem>>, %arg13: memref<!tpu.dma_semaphore, #tpu.memory_space<semaphore_mem>>, %arg14: memref<!tpu.dma_semaphore, #tpu.memory_space<semaphore_mem>>) attributes {dimension_semantics = [#tpu.dimension_semantics<core_parallel>, #tpu.dimension_semantics<subcore_parallel>], iteration_bounds = array<i64: 2, 16>, scalar_prefetch = 0 : i64, scratch_operands = 10 : i64, tpu.core_type = #tpu.core_type<sc_vector_subcore>, window_params = [{transform_indices = #map}, {transform_indices = #map1}, {transform_indices = #map1}]} {
    %mul3A = arith.constant 2 : i32
    %mul3A_0 = arith.muli %arg1, %mul3A : i32
    %add3A = arith.addi %mul3A_0, %arg0 : i32
    %lt3A = arith.constant 26 : i32
    %lt3A_1 = arith.cmpi slt, %add3A, %lt3A : i32
    %jit3A = arith.constant 1 : i32
    %jit3A_2 = arith.constant 0 : i32
    %select_n3A = arith.select %lt3A_1, %jit3A, %jit3A_2 : i32
    %add3A_3 = arith.constant 7 : i32
    %add3A_4 = arith.addi %add3A_3, %select_n3A : i32
    %add3A_5 = arith.constant 0 : i32
    %add3A_6 = arith.addi %add3A, %add3A_5 : i32
    %mul3A_7 = arith.constant 400 : i32
    %mul3A_8 = arith.muli %add3A_6, %mul3A_7 : i32
    %dma_start3A = tpu.memref_slice %arg2[%mul3A_8] : memref<100000xi32, #tpu.memory_space<hbm>> -> memref<400xi32, #tpu.memory_space<hbm>>
    %dma_start3A_9 = tpu.memref_slice %arg2[%mul3A_8] : memref<100000xi32, #tpu.memory_space<hbm>> -> memref<400xi32, #tpu.memory_space<hbm>>
    tpu.enqueue_dma source(%dma_start3A_9 : memref<400xi32, #tpu.memory_space<hbm>>) target(%arg5 : memref<400xi32, #tpu.memory_space<vmem>>) target_semaphore(%arg11 : memref<!tpu.dma_semaphore, #tpu.memory_space<semaphore_mem>>)
    "tpu.region"() ({
      %run_scoped3A = tpu.sem_alloc : memref<!tpu.dma_semaphore, #tpu.memory_space<semaphore_mem>>
      tpu.enqueue_dma source(%arg3 : memref<102x96xf32, #tpu.memory_space<hbm>>) target(%arg9 : memref<102x96xf32, #tpu.memory_space<vmem_shared>>) target_semaphore(%run_scoped3A : memref<!tpu.dma_semaphore, #tpu.memory_space<semaphore_mem>>)
      tpu.wait_dma2 semaphore(%run_scoped3A : memref<!tpu.dma_semaphore, #tpu.memory_space<semaphore_mem>>) src(%arg3 : memref<102x96xf32, #tpu.memory_space<hbm>>) dst(%arg9 : memref<102x96xf32, #tpu.memory_space<vmem_shared>>)
      tpu.yield
    }) : () -> ()
    %while3A = arith.constant 0 : i32
    %while3A_10 = arith.constant 0 : i32
    %while3A_11 = arith.subi %add3A_4, %while3A_10 : i32
    %while3A_12 = arith.addi %while3A_10, %while3A_11 : i32
    %while3A_13 = arith.constant 1 : i32
    %while3A_14 = arith.divsi %while3A_11, %while3A_13 : i32
    %while3A_15 = arith.muli %while3A_14, %while3A_13 : i32
    %while3A_16 = arith.addi %while3A_10, %while3A_15 : i32
    %while3A_17 = arith.constant 1 : i32
    scf.for %while3A_28 = %while3A_10 to %while3A_16 step %while3A_17  : i32 {
      %mul3A_29 = arith.constant 32 : i32
      %mul3A_30 = arith.muli %mul3A_29, %while3A_28 : i32
      %add3A_31 = arith.addi %add3A, %mul3A_30 : i32
      %mul3A_32 = arith.constant 400 : i32
      %mul3A_33 = arith.muli %add3A_31, %mul3A_32 : i32
      %add3A_34 = arith.constant 1 : i32
      %add3A_35 = arith.addi %while3A_28, %add3A_34 : i32
      %lt3A_36 = arith.cmpi slt, %add3A_35, %add3A_4 : i32
      %convert_element_type3A_37 = arith.extui %lt3A_36 : i1 to i32
      %cond3A_38 = arith.constant 0 : i32
      %cond3A_39 = arith.cmpi ne, %convert_element_type3A_37, %cond3A_38 : i32
      scf.if %cond3A_39 {
        %jit3A_78 = arith.constant 2 : i32
        %eq3A_79 = arith.constant 0 : i32
        %eq3A_80 = arith.cmpi eq, %jit3A_78, %eq3A_79 : i32
        %jit3A_81 = arith.constant 1 : i32
        %select_n3A_82 = arith.select %eq3A_80, %jit3A_81, %jit3A_78 : i32
        %rem3A_83 = arith.remsi %while3A_28, %select_n3A_82 : i32
        %ne3A_84 = arith.constant 0 : i32
        %ne3A_85 = arith.cmpi ne, %rem3A_83, %ne3A_84 : i32
        %lt3A_86 = arith.constant 0 : i32
        %lt3A_87 = arith.cmpi slt, %rem3A_83, %lt3A_86 : i32
        %lt3A_88 = arith.constant 0 : i32
        %lt3A_89 = arith.cmpi slt, %select_n3A_82, %lt3A_88 : i32
        %ne3A_90 = arith.xori %lt3A_87, %lt3A_89 : i1
        %and3A_91 = arith.andi %ne3A_90, %ne3A_85 : i1
        %add3A_92 = arith.addi %rem3A_83, %select_n3A_82 : i32
        %select_n3A_93 = arith.select %and3A_91, %add3A_92, %rem3A_83 : i32
        %eq3A_94 = arith.constant 0 : i32
        %eq3A_95 = arith.cmpi eq, %select_n3A_93, %eq3A_94 : i32
        %convert_element_type3A_96 = arith.extui %eq3A_95 : i1 to i32
        %cond3A_97 = arith.constant 0 : i32
        %cond3A_98 = arith.cmpi ne, %convert_element_type3A_96, %cond3A_97 : i32
        scf.if %cond3A_98 {
          %add3A_120 = arith.constant 1 : i32
          %add3A_121 = arith.addi %while3A_28, %add3A_120 : i32
          %mul3A_122 = arith.constant 32 : i32
          %mul3A_123 = arith.muli %mul3A_122, %add3A_121 : i32
          %add3A_124 = arith.addi %add3A, %mul3A_123 : i32
          %mul3A_125 = arith.constant 400 : i32
          %mul3A_126 = arith.muli %add3A_124, %mul3A_125 : i32
          %dma_start3A_127 = tpu.memref_slice %arg2[%mul3A_126] : memref<100000xi32, #tpu.memory_space<hbm>> -> memref<400xi32, #tpu.memory_space<hbm>>
          %dma_start3A_128 = tpu.memref_slice %arg2[%mul3A_126] : memref<100000xi32, #tpu.memory_space<hbm>> -> memref<400xi32, #tpu.memory_space<hbm>>
          tpu.enqueue_dma source(%dma_start3A_128 : memref<400xi32, #tpu.memory_space<hbm>>) target(%arg6 : memref<400xi32, #tpu.memory_space<vmem>>) target_semaphore(%arg12 : memref<!tpu.dma_semaphore, #tpu.memory_space<semaphore_mem>>)
        } else {
        }
        %jit3A_99 = arith.constant 2 : i32
        %eq3A_100 = arith.constant 0 : i32
        %eq3A_101 = arith.cmpi eq, %jit3A_99, %eq3A_100 : i32
        %jit3A_102 = arith.constant 1 : i32
        %select_n3A_103 = arith.select %eq3A_101, %jit3A_102, %jit3A_99 : i32
        %rem3A_104 = arith.remsi %while3A_28, %select_n3A_103 : i32
        %ne3A_105 = arith.constant 0 : i32
        %ne3A_106 = arith.cmpi ne, %rem3A_104, %ne3A_105 : i32
        %lt3A_107 = arith.constant 0 : i32
        %lt3A_108 = arith.cmpi slt, %rem3A_104, %lt3A_107 : i32
        %lt3A_109 = arith.constant 0 : i32
        %lt3A_110 = arith.cmpi slt, %select_n3A_103, %lt3A_109 : i32
        %ne3A_111 = arith.xori %lt3A_108, %lt3A_110 : i1
        %and3A_112 = arith.andi %ne3A_111, %ne3A_106 : i1
        %add3A_113 = arith.addi %rem3A_104, %select_n3A_103 : i32
        %select_n3A_114 = arith.select %and3A_112, %add3A_113, %rem3A_104 : i32
        %eq3A_115 = arith.constant 1 : i32
        %eq3A_116 = arith.cmpi eq, %select_n3A_114, %eq3A_115 : i32
        %convert_element_type3A_117 = arith.extui %eq3A_116 : i1 to i32
        %cond3A_118 = arith.constant 0 : i32
        %cond3A_119 = arith.cmpi ne, %convert_element_type3A_117, %cond3A_118 : i32
        scf.if %cond3A_119 {
          %add3A_120 = arith.constant 1 : i32
          %add3A_121 = arith.addi %while3A_28, %add3A_120 : i32
          %mul3A_122 = arith.constant 32 : i32
          %mul3A_123 = arith.muli %mul3A_122, %add3A_121 : i32
          %add3A_124 = arith.addi %add3A, %mul3A_123 : i32
          %mul3A_125 = arith.constant 400 : i32
          %mul3A_126 = arith.muli %add3A_124, %mul3A_125 : i32
          %dma_start3A_127 = tpu.memref_slice %arg2[%mul3A_126] : memref<100000xi32, #tpu.memory_space<hbm>> -> memref<400xi32, #tpu.memory_space<hbm>>
          %dma_start3A_128 = tpu.memref_slice %arg2[%mul3A_126] : memref<100000xi32, #tpu.memory_space<hbm>> -> memref<400xi32, #tpu.memory_space<hbm>>
          tpu.enqueue_dma source(%dma_start3A_128 : memref<400xi32, #tpu.memory_space<hbm>>) target(%arg5 : memref<400xi32, #tpu.memory_space<vmem>>) target_semaphore(%arg11 : memref<!tpu.dma_semaphore, #tpu.memory_space<semaphore_mem>>)
        } else {
        }
      } else {
      }
      %jit3A_40 = arith.constant 2 : i32
      %eq3A = arith.constant 0 : i32
      %eq3A_41 = arith.cmpi eq, %jit3A_40, %eq3A : i32
      %jit3A_42 = arith.constant 1 : i32
      %select_n3A_43 = arith.select %eq3A_41, %jit3A_42, %jit3A_40 : i32
      %rem3A = arith.remsi %while3A_28, %select_n3A_43 : i32
      %ne3A = arith.constant 0 : i32
      %ne3A_44 = arith.cmpi ne, %rem3A, %ne3A : i32
      %lt3A_45 = arith.constant 0 : i32
      %lt3A_46 = arith.cmpi slt, %rem3A, %lt3A_45 : i32
      %lt3A_47 = arith.constant 0 : i32
      %lt3A_48 = arith.cmpi slt, %select_n3A_43, %lt3A_47 : i32
      %ne3A_49 = arith.xori %lt3A_46, %lt3A_48 : i1
      %and3A = arith.andi %ne3A_49, %ne3A_44 : i1
      %add3A_50 = arith.addi %rem3A, %select_n3A_43 : i32
      %select_n3A_51 = arith.select %and3A, %add3A_50, %rem3A : i32
      %eq3A_52 = arith.constant 0 : i32
      %eq3A_53 = arith.cmpi eq, %select_n3A_51, %eq3A_52 : i32
      %convert_element_type3A_54 = arith.extui %eq3A_53 : i1 to i32
      %cond3A_55 = arith.constant 0 : i32
      %cond3A_56 = arith.cmpi ne, %convert_element_type3A_54, %cond3A_55 : i32
      scf.if %cond3A_56 {
        %ge3A_78 = arith.constant 2 : i32
        %ge3A_79 = arith.cmpi sge, %while3A_28, %ge3A_78 : i32
        %convert_element_type3A_80 = arith.extui %ge3A_79 : i1 to i32
        %cond3A_81 = arith.constant 0 : i32
        %cond3A_82 = arith.cmpi ne, %convert_element_type3A_80, %cond3A_81 : i32
        scf.if %cond3A_82 {
          %dma_wait3A_156 = arith.constant 0 : i32
          %dma_wait3A_157 = tpu.memref_slice %arg4[%mul3A_33, %dma_wait3A_156] : memref<100000x96xf32, #tpu.memory_space<hbm>> -> memref<400x96xf32, #tpu.memory_space<hbm>>
          %dma_wait3A_158 = arith.constant 0 : i32
          %dma_wait3A_159 = tpu.memref_slice %arg4[%mul3A_33, %dma_wait3A_158] : memref<100000x96xf32, #tpu.memory_space<hbm>> -> memref<400x96xf32, #tpu.memory_space<hbm>>
          tpu.wait_dma2 semaphore(%arg13 : memref<!tpu.dma_semaphore, #tpu.memory_space<semaphore_mem>>) src(%arg7 : memref<400x96xf32, #tpu.memory_space<vmem>>) dst(%dma_wait3A_159 : memref<400x96xf32, #tpu.memory_space<hbm>>)
        } else {
        }
        %add3A_83 = arith.constant 0 : i32
        %add3A_84 = arith.addi %add3A, %add3A_83 : i32
        %mul3A_85 = arith.constant 400 : i32
        %mul3A_86 = arith.muli %add3A_84, %mul3A_85 : i32
        %dma_wait3A = tpu.memref_slice %arg2[%mul3A_86] : memref<100000xi32, #tpu.memory_space<hbm>> -> memref<400xi32, #tpu.memory_space<hbm>>
        %dma_wait3A_87 = tpu.memref_slice %arg2[%mul3A_86] : memref<100000xi32, #tpu.memory_space<hbm>> -> memref<400xi32, #tpu.memory_space<hbm>>
        tpu.wait_dma2 semaphore(%arg11 : memref<!tpu.dma_semaphore, #tpu.memory_space<semaphore_mem>>) src(%dma_wait3A_87 : memref<400xi32, #tpu.memory_space<hbm>>) dst(%arg5 : memref<400xi32, #tpu.memory_space<vmem>>)
        %dma_start3A_88 = arith.constant 0 : i32
        %dma_start3A_89 = arith.constant 0 : i32
        %dma_start3A_90 = tpu.memref_slice %arg7[%dma_start3A_88, %dma_start3A_89] : memref<400x96xf32, #tpu.memory_space<vmem>> -> memref<128x96xf32, #tpu.memory_space<vmem>>
        %dma_start3A_91 = arith.constant 0 : i32
        %dma_start3A_92 = tpu.memref_slice %arg5[%dma_start3A_91] : memref<400xi32, #tpu.memory_space<vmem>> -> memref<128xi32, #tpu.memory_space<vmem>>
        %dma_start3A_93 = arith.constant 0 : i32
        %dma_start3A_94 = arith.constant 0 : i32
        %dma_start3A_95 = tpu.memref_slice %arg9[%dma_start3A_93, %dma_start3A_94] : memref<102x96xf32, #tpu.memory_space<vmem_shared>> -> memref<102x96xf32, #tpu.memory_space<vmem_shared>>
        tpu.enqueue_indirect_dma source(%dma_start3A_95 : memref<102x96xf32, #tpu.memory_space<vmem_shared>>) target(%dma_start3A_90 : memref<128x96xf32, #tpu.memory_space<vmem>>) offsets(%dma_start3A_92 : memref<128xi32, #tpu.memory_space<vmem>>) semaphore(%arg10 : memref<!tpu.dma_semaphore, #tpu.memory_space<semaphore_mem>>)
        %dma_start3A_96 = arith.constant 128 : i32
        %dma_start3A_97 = arith.constant 0 : i32
        %dma_start3A_98 = tpu.memref_slice %arg7[%dma_start3A_96, %dma_start3A_97] : memref<400x96xf32, #tpu.memory_space<vmem>> -> memref<128x96xf32, #tpu.memory_space<vmem>>
        %dma_start3A_99 = arith.constant 128 : i32
        %dma_start3A_100 = tpu.memref_slice %arg5[%dma_start3A_99] : memref<400xi32, #tpu.memory_space<vmem>> -> memref<128xi32, #tpu.memory_space<vmem>>
        %dma_start3A_101 = arith.constant 0 : i32
        %dma_start3A_102 = arith.constant 0 : i32
        %dma_start3A_103 = tpu.memref_slice %arg9[%dma_start3A_101, %dma_start3A_102] : memref<102x96xf32, #tpu.memory_space<vmem_shared>> -> memref<102x96xf32, #tpu.memory_space<vmem_shared>>
        tpu.enqueue_indirect_dma source(%dma_start3A_103 : memref<102x96xf32, #tpu.memory_space<vmem_shared>>) target(%dma_start3A_98 : memref<128x96xf32, #tpu.memory_space<vmem>>) offsets(%dma_start3A_100 : memref<128xi32, #tpu.memory_space<vmem>>) semaphore(%arg10 : memref<!tpu.dma_semaphore, #tpu.memory_space<semaphore_mem>>)
        %dma_start3A_104 = arith.constant 256 : i32
        %dma_start3A_105 = arith.constant 0 : i32
        %dma_start3A_106 = tpu.memref_slice %arg7[%dma_start3A_104, %dma_start3A_105] : memref<400x96xf32, #tpu.memory_space<vmem>> -> memref<128x96xf32, #tpu.memory_space<vmem>>
        %dma_start3A_107 = arith.constant 256 : i32
        %dma_start3A_108 = tpu.memref_slice %arg5[%dma_start3A_107] : memref<400xi32, #tpu.memory_space<vmem>> -> memref<128xi32, #tpu.memory_space<vmem>>
        %dma_start3A_109 = arith.constant 0 : i32
        %dma_start3A_110 = arith.constant 0 : i32
        %dma_start3A_111 = tpu.memref_slice %arg9[%dma_start3A_109, %dma_start3A_110] : memref<102x96xf32, #tpu.memory_space<vmem_shared>> -> memref<102x96xf32, #tpu.memory_space<vmem_shared>>
        tpu.enqueue_indirect_dma source(%dma_start3A_111 : memref<102x96xf32, #tpu.memory_space<vmem_shared>>) target(%dma_start3A_106 : memref<128x96xf32, #tpu.memory_space<vmem>>) offsets(%dma_start3A_108 : memref<128xi32, #tpu.memory_space<vmem>>) semaphore(%arg10 : memref<!tpu.dma_semaphore, #tpu.memory_space<semaphore_mem>>)
        %dma_start3A_112 = arith.constant 384 : i32
        %dma_start3A_113 = arith.constant 0 : i32
        %dma_start3A_114 = tpu.memref_slice %arg7[%dma_start3A_112, %dma_start3A_113] : memref<400x96xf32, #tpu.memory_space<vmem>> -> memref<16x96xf32, #tpu.memory_space<vmem>>
        %dma_start3A_115 = arith.constant 384 : i32
        %dma_start3A_116 = tpu.memref_slice %arg5[%dma_start3A_115] : memref<400xi32, #tpu.memory_space<vmem>> -> memref<16xi32, #tpu.memory_space<vmem>>
        %dma_start3A_117 = arith.constant 0 : i32
        %dma_start3A_118 = arith.constant 0 : i32
        %dma_start3A_119 = tpu.memref_slice %arg9[%dma_start3A_117, %dma_start3A_118] : memref<102x96xf32, #tpu.memory_space<vmem_shared>> -> memref<102x96xf32, #tpu.memory_space<vmem_shared>>
        tpu.enqueue_indirect_dma source(%dma_start3A_119 : memref<102x96xf32, #tpu.memory_space<vmem_shared>>) target(%dma_start3A_114 : memref<16x96xf32, #tpu.memory_space<vmem>>) offsets(%dma_start3A_116 : memref<16xi32, #tpu.memory_space<vmem>>) semaphore(%arg10 : memref<!tpu.dma_semaphore, #tpu.memory_space<semaphore_mem>>)
        %dma_wait3A_120 = arith.constant 0 : i32
        %dma_wait3A_121 = arith.constant 0 : i32
        %dma_wait3A_122 = tpu.memref_slice %arg7[%dma_wait3A_120, %dma_wait3A_121] : memref<400x96xf32, #tpu.memory_space<vmem>> -> memref<128x96xf32, #tpu.memory_space<vmem>>
        %dma_wait3A_123 = arith.constant 0 : i32
        %dma_wait3A_124 = tpu.memref_slice %arg5[%dma_wait3A_123] : memref<400xi32, #tpu.memory_space<vmem>> -> memref<128xi32, #tpu.memory_space<vmem>>
        %dma_wait3A_125 = arith.constant 0 : i32
        %dma_wait3A_126 = arith.constant 0 : i32
        %dma_wait3A_127 = tpu.memref_slice %arg9[%dma_wait3A_125, %dma_wait3A_126] : memref<102x96xf32, #tpu.memory_space<vmem_shared>> -> memref<102x96xf32, #tpu.memory_space<vmem_shared>>
        tpu.wait_indirect_dma semaphore(%arg10 : memref<!tpu.dma_semaphore, #tpu.memory_space<semaphore_mem>>) src(%dma_wait3A_127 : memref<102x96xf32, #tpu.memory_space<vmem_shared>>) dst(%dma_wait3A_122 : memref<128x96xf32, #tpu.memory_space<vmem>>)
        %dma_wait3A_128 = arith.constant 128 : i32
        %dma_wait3A_129 = arith.constant 0 : i32
        %dma_wait3A_130 = tpu.memref_slice %arg7[%dma_wait3A_128, %dma_wait3A_129] : memref<400x96xf32, #tpu.memory_space<vmem>> -> memref<128x96xf32, #tpu.memory_space<vmem>>
        %dma_wait3A_131 = arith.constant 128 : i32
        %dma_wait3A_132 = tpu.memref_slice %arg5[%dma_wait3A_131] : memref<400xi32, #tpu.memory_space<vmem>> -> memref<128xi32, #tpu.memory_space<vmem>>
        %dma_wait3A_133 = arith.constant 0 : i32
        %dma_wait3A_134 = arith.constant 0 : i32
        %dma_wait3A_135 = tpu.memref_slice %arg9[%dma_wait3A_133, %dma_wait3A_134] : memref<102x96xf32, #tpu.memory_space<vmem_shared>> -> memref<102x96xf32, #tpu.memory_space<vmem_shared>>
        tpu.wait_indirect_dma semaphore(%arg10 : memref<!tpu.dma_semaphore, #tpu.memory_space<semaphore_mem>>) src(%dma_wait3A_135 : memref<102x96xf32, #tpu.memory_space<vmem_shared>>) dst(%dma_wait3A_130 : memref<128x96xf32, #tpu.memory_space<vmem>>)
        %dma_wait3A_136 = arith.constant 256 : i32
        %dma_wait3A_137 = arith.constant 0 : i32
        %dma_wait3A_138 = tpu.memref_slice %arg7[%dma_wait3A_136, %dma_wait3A_137] : memref<400x96xf32, #tpu.memory_space<vmem>> -> memref<128x96xf32, #tpu.memory_space<vmem>>
        %dma_wait3A_139 = arith.constant 256 : i32
        %dma_wait3A_140 = tpu.memref_slice %arg5[%dma_wait3A_139] : memref<400xi32, #tpu.memory_space<vmem>> -> memref<128xi32, #tpu.memory_space<vmem>>
        %dma_wait3A_141 = arith.constant 0 : i32
        %dma_wait3A_142 = arith.constant 0 : i32
        %dma_wait3A_143 = tpu.memref_slice %arg9[%dma_wait3A_141, %dma_wait3A_142] : memref<102x96xf32, #tpu.memory_space<vmem_shared>> -> memref<102x96xf32, #tpu.memory_space<vmem_shared>>
        tpu.wait_indirect_dma semaphore(%arg10 : memref<!tpu.dma_semaphore, #tpu.memory_space<semaphore_mem>>) src(%dma_wait3A_143 : memref<102x96xf32, #tpu.memory_space<vmem_shared>>) dst(%dma_wait3A_138 : memref<128x96xf32, #tpu.memory_space<vmem>>)
        %dma_wait3A_144 = arith.constant 384 : i32
        %dma_wait3A_145 = arith.constant 0 : i32
        %dma_wait3A_146 = tpu.memref_slice %arg7[%dma_wait3A_144, %dma_wait3A_145] : memref<400x96xf32, #tpu.memory_space<vmem>> -> memref<16x96xf32, #tpu.memory_space<vmem>>
        %dma_wait3A_147 = arith.constant 384 : i32
        %dma_wait3A_148 = tpu.memref_slice %arg5[%dma_wait3A_147] : memref<400xi32, #tpu.memory_space<vmem>> -> memref<16xi32, #tpu.memory_space<vmem>>
        %dma_wait3A_149 = arith.constant 0 : i32
        %dma_wait3A_150 = arith.constant 0 : i32
        %dma_wait3A_151 = tpu.memref_slice %arg9[%dma_wait3A_149, %dma_wait3A_150] : memref<102x96xf32, #tpu.memory_space<vmem_shared>> -> memref<102x96xf32, #tpu.memory_space<vmem_shared>>
        tpu.wait_indirect_dma semaphore(%arg10 : memref<!tpu.dma_semaphore, #tpu.memory_space<semaphore_mem>>) src(%dma_wait3A_151 : memref<102x96xf32, #tpu.memory_space<vmem_shared>>) dst(%dma_wait3A_146 : memref<16x96xf32, #tpu.memory_space<vmem>>)
        %dma_start3A_152 = arith.constant 0 : i32
        %dma_start3A_153 = tpu.memref_slice %arg4[%mul3A_33, %dma_start3A_152] : memref<100000x96xf32, #tpu.memory_space<hbm>> -> memref<400x96xf32, #tpu.memory_space<hbm>>
        %dma_start3A_154 = arith.constant 0 : i32
        %dma_start3A_155 = tpu.memref_slice %arg4[%mul3A_33, %dma_start3A_154] : memref<100000x96xf32, #tpu.memory_space<hbm>> -> memref<400x96xf32, #tpu.memory_space<hbm>>
        tpu.enqueue_dma source(%arg7 : memref<400x96xf32, #tpu.memory_space<vmem>>) target(%dma_start3A_155 : memref<400x96xf32, #tpu.memory_space<hbm>>) target_semaphore(%arg13 : memref<!tpu.dma_semaphore, #tpu.memory_space<semaphore_mem>>)
      } else {
      }
      %jit3A_57 = arith.constant 2 : i32
      %eq3A_58 = arith.constant 0 : i32
      %eq3A_59 = arith.cmpi eq, %jit3A_57, %eq3A_58 : i32
      %jit3A_60 = arith.constant 1 : i32
      %select_n3A_61 = arith.select %eq3A_59, %jit3A_60, %jit3A_57 : i32
      %rem3A_62 = arith.remsi %while3A_28, %select_n3A_61 : i32
      %ne3A_63 = arith.constant 0 : i32
      %ne3A_64 = arith.cmpi ne, %rem3A_62, %ne3A_63 : i32
      %lt3A_65 = arith.constant 0 : i32
      %lt3A_66 = arith.cmpi slt, %rem3A_62, %lt3A_65 : i32
      %lt3A_67 = arith.constant 0 : i32
      %lt3A_68 = arith.cmpi slt, %select_n3A_61, %lt3A_67 : i32
      %ne3A_69 = arith.xori %lt3A_66, %lt3A_68 : i1
      %and3A_70 = arith.andi %ne3A_69, %ne3A_64 : i1
      %add3A_71 = arith.addi %rem3A_62, %select_n3A_61 : i32
      %select_n3A_72 = arith.select %and3A_70, %add3A_71, %rem3A_62 : i32
      %eq3A_73 = arith.constant 1 : i32
      %eq3A_74 = arith.cmpi eq, %select_n3A_72, %eq3A_73 : i32
      %convert_element_type3A_75 = arith.extui %eq3A_74 : i1 to i32
      %cond3A_76 = arith.constant 0 : i32
      %cond3A_77 = arith.cmpi ne, %convert_element_type3A_75, %cond3A_76 : i32
      scf.if %cond3A_77 {
        %ge3A_78 = arith.constant 2 : i32
        %ge3A_79 = arith.cmpi sge, %while3A_28, %ge3A_78 : i32
        %convert_element_type3A_80 = arith.extui %ge3A_79 : i1 to i32
        %cond3A_81 = arith.constant 0 : i32
        %cond3A_82 = arith.cmpi ne, %convert_element_type3A_80, %cond3A_81 : i32
        scf.if %cond3A_82 {
          %dma_wait3A_156 = arith.constant 0 : i32
          %dma_wait3A_157 = tpu.memref_slice %arg4[%mul3A_33, %dma_wait3A_156] : memref<100000x96xf32, #tpu.memory_space<hbm>> -> memref<400x96xf32, #tpu.memory_space<hbm>>
          %dma_wait3A_158 = arith.constant 0 : i32
          %dma_wait3A_159 = tpu.memref_slice %arg4[%mul3A_33, %dma_wait3A_158] : memref<100000x96xf32, #tpu.memory_space<hbm>> -> memref<400x96xf32, #tpu.memory_space<hbm>>
          tpu.wait_dma2 semaphore(%arg14 : memref<!tpu.dma_semaphore, #tpu.memory_space<semaphore_mem>>) src(%arg8 : memref<400x96xf32, #tpu.memory_space<vmem>>) dst(%dma_wait3A_159 : memref<400x96xf32, #tpu.memory_space<hbm>>)
        } else {
        }
        %add3A_83 = arith.constant 0 : i32
        %add3A_84 = arith.addi %add3A, %add3A_83 : i32
        %mul3A_85 = arith.constant 400 : i32
        %mul3A_86 = arith.muli %add3A_84, %mul3A_85 : i32
        %dma_wait3A = tpu.memref_slice %arg2[%mul3A_86] : memref<100000xi32, #tpu.memory_space<hbm>> -> memref<400xi32, #tpu.memory_space<hbm>>
        %dma_wait3A_87 = tpu.memref_slice %arg2[%mul3A_86] : memref<100000xi32, #tpu.memory_space<hbm>> -> memref<400xi32, #tpu.memory_space<hbm>>
        tpu.wait_dma2 semaphore(%arg12 : memref<!tpu.dma_semaphore, #tpu.memory_space<semaphore_mem>>) src(%dma_wait3A_87 : memref<400xi32, #tpu.memory_space<hbm>>) dst(%arg6 : memref<400xi32, #tpu.memory_space<vmem>>)
        %dma_start3A_88 = arith.constant 0 : i32
        %dma_start3A_89 = arith.constant 0 : i32
        %dma_start3A_90 = tpu.memref_slice %arg8[%dma_start3A_88, %dma_start3A_89] : memref<400x96xf32, #tpu.memory_space<vmem>> -> memref<128x96xf32, #tpu.memory_space<vmem>>
        %dma_start3A_91 = arith.constant 0 : i32
        %dma_start3A_92 = tpu.memref_slice %arg6[%dma_start3A_91] : memref<400xi32, #tpu.memory_space<vmem>> -> memref<128xi32, #tpu.memory_space<vmem>>
        %dma_start3A_93 = arith.constant 0 : i32
        %dma_start3A_94 = arith.constant 0 : i32
        %dma_start3A_95 = tpu.memref_slice %arg9[%dma_start3A_93, %dma_start3A_94] : memref<102x96xf32, #tpu.memory_space<vmem_shared>> -> memref<102x96xf32, #tpu.memory_space<vmem_shared>>
        tpu.enqueue_indirect_dma source(%dma_start3A_95 : memref<102x96xf32, #tpu.memory_space<vmem_shared>>) target(%dma_start3A_90 : memref<128x96xf32, #tpu.memory_space<vmem>>) offsets(%dma_start3A_92 : memref<128xi32, #tpu.memory_space<vmem>>) semaphore(%arg10 : memref<!tpu.dma_semaphore, #tpu.memory_space<semaphore_mem>>)
        %dma_start3A_96 = arith.constant 128 : i32
        %dma_start3A_97 = arith.constant 0 : i32
        %dma_start3A_98 = tpu.memref_slice %arg8[%dma_start3A_96, %dma_start3A_97] : memref<400x96xf32, #tpu.memory_space<vmem>> -> memref<128x96xf32, #tpu.memory_space<vmem>>
        %dma_start3A_99 = arith.constant 128 : i32
        %dma_start3A_100 = tpu.memref_slice %arg6[%dma_start3A_99] : memref<400xi32, #tpu.memory_space<vmem>> -> memref<128xi32, #tpu.memory_space<vmem>>
        %dma_start3A_101 = arith.constant 0 : i32
        %dma_start3A_102 = arith.constant 0 : i32
        %dma_start3A_103 = tpu.memref_slice %arg9[%dma_start3A_101, %dma_start3A_102] : memref<102x96xf32, #tpu.memory_space<vmem_shared>> -> memref<102x96xf32, #tpu.memory_space<vmem_shared>>
        tpu.enqueue_indirect_dma source(%dma_start3A_103 : memref<102x96xf32, #tpu.memory_space<vmem_shared>>) target(%dma_start3A_98 : memref<128x96xf32, #tpu.memory_space<vmem>>) offsets(%dma_start3A_100 : memref<128xi32, #tpu.memory_space<vmem>>) semaphore(%arg10 : memref<!tpu.dma_semaphore, #tpu.memory_space<semaphore_mem>>)
        %dma_start3A_104 = arith.constant 256 : i32
        %dma_start3A_105 = arith.constant 0 : i32
        %dma_start3A_106 = tpu.memref_slice %arg8[%dma_start3A_104, %dma_start3A_105] : memref<400x96xf32, #tpu.memory_space<vmem>> -> memref<128x96xf32, #tpu.memory_space<vmem>>
        %dma_start3A_107 = arith.constant 256 : i32
        %dma_start3A_108 = tpu.memref_slice %arg6[%dma_start3A_107] : memref<400xi32, #tpu.memory_space<vmem>> -> memref<128xi32, #tpu.memory_space<vmem>>
        %dma_start3A_109 = arith.constant 0 : i32
        %dma_start3A_110 = arith.constant 0 : i32
        %dma_start3A_111 = tpu.memref_slice %arg9[%dma_start3A_109, %dma_start3A_110] : memref<102x96xf32, #tpu.memory_space<vmem_shared>> -> memref<102x96xf32, #tpu.memory_space<vmem_shared>>
        tpu.enqueue_indirect_dma source(%dma_start3A_111 : memref<102x96xf32, #tpu.memory_space<vmem_shared>>) target(%dma_start3A_106 : memref<128x96xf32, #tpu.memory_space<vmem>>) offsets(%dma_start3A_108 : memref<128xi32, #tpu.memory_space<vmem>>) semaphore(%arg10 : memref<!tpu.dma_semaphore, #tpu.memory_space<semaphore_mem>>)
        %dma_start3A_112 = arith.constant 384 : i32
        %dma_start3A_113 = arith.constant 0 : i32
        %dma_start3A_114 = tpu.memref_slice %arg8[%dma_start3A_112, %dma_start3A_113] : memref<400x96xf32, #tpu.memory_space<vmem>> -> memref<16x96xf32, #tpu.memory_space<vmem>>
        %dma_start3A_115 = arith.constant 384 : i32
        %dma_start3A_116 = tpu.memref_slice %arg6[%dma_start3A_115] : memref<400xi32, #tpu.memory_space<vmem>> -> memref<16xi32, #tpu.memory_space<vmem>>
        %dma_start3A_117 = arith.constant 0 : i32
        %dma_start3A_118 = arith.constant 0 : i32
        %dma_start3A_119 = tpu.memref_slice %arg9[%dma_start3A_117, %dma_start3A_118] : memref<102x96xf32, #tpu.memory_space<vmem_shared>> -> memref<102x96xf32, #tpu.memory_space<vmem_shared>>
        tpu.enqueue_indirect_dma source(%dma_start3A_119 : memref<102x96xf32, #tpu.memory_space<vmem_shared>>) target(%dma_start3A_114 : memref<16x96xf32, #tpu.memory_space<vmem>>) offsets(%dma_start3A_116 : memref<16xi32, #tpu.memory_space<vmem>>) semaphore(%arg10 : memref<!tpu.dma_semaphore, #tpu.memory_space<semaphore_mem>>)
        %dma_wait3A_120 = arith.constant 0 : i32
        %dma_wait3A_121 = arith.constant 0 : i32
        %dma_wait3A_122 = tpu.memref_slice %arg8[%dma_wait3A_120, %dma_wait3A_121] : memref<400x96xf32, #tpu.memory_space<vmem>> -> memref<128x96xf32, #tpu.memory_space<vmem>>
        %dma_wait3A_123 = arith.constant 0 : i32
        %dma_wait3A_124 = tpu.memref_slice %arg6[%dma_wait3A_123] : memref<400xi32, #tpu.memory_space<vmem>> -> memref<128xi32, #tpu.memory_space<vmem>>
        %dma_wait3A_125 = arith.constant 0 : i32
        %dma_wait3A_126 = arith.constant 0 : i32
        %dma_wait3A_127 = tpu.memref_slice %arg9[%dma_wait3A_125, %dma_wait3A_126] : memref<102x96xf32, #tpu.memory_space<vmem_shared>> -> memref<102x96xf32, #tpu.memory_space<vmem_shared>>
        tpu.wait_indirect_dma semaphore(%arg10 : memref<!tpu.dma_semaphore, #tpu.memory_space<semaphore_mem>>) src(%dma_wait3A_127 : memref<102x96xf32, #tpu.memory_space<vmem_shared>>) dst(%dma_wait3A_122 : memref<128x96xf32, #tpu.memory_space<vmem>>)
        %dma_wait3A_128 = arith.constant 128 : i32
        %dma_wait3A_129 = arith.constant 0 : i32
        %dma_wait3A_130 = tpu.memref_slice %arg8[%dma_wait3A_128, %dma_wait3A_129] : memref<400x96xf32, #tpu.memory_space<vmem>> -> memref<128x96xf32, #tpu.memory_space<vmem>>
        %dma_wait3A_131 = arith.constant 128 : i32
        %dma_wait3A_132 = tpu.memref_slice %arg6[%dma_wait3A_131] : memref<400xi32, #tpu.memory_space<vmem>> -> memref<128xi32, #tpu.memory_space<vmem>>
        %dma_wait3A_133 = arith.constant 0 : i32
        %dma_wait3A_134 = arith.constant 0 : i32
        %dma_wait3A_135 = tpu.memref_slice %arg9[%dma_wait3A_133, %dma_wait3A_134] : memref<102x96xf32, #tpu.memory_space<vmem_shared>> -> memref<102x96xf32, #tpu.memory_space<vmem_shared>>
        tpu.wait_indirect_dma semaphore(%arg10 : memref<!tpu.dma_semaphore, #tpu.memory_space<semaphore_mem>>) src(%dma_wait3A_135 : memref<102x96xf32, #tpu.memory_space<vmem_shared>>) dst(%dma_wait3A_130 : memref<128x96xf32, #tpu.memory_space<vmem>>)
        %dma_wait3A_136 = arith.constant 256 : i32
        %dma_wait3A_137 = arith.constant 0 : i32
        %dma_wait3A_138 = tpu.memref_slice %arg8[%dma_wait3A_136, %dma_wait3A_137] : memref<400x96xf32, #tpu.memory_space<vmem>> -> memref<128x96xf32, #tpu.memory_space<vmem>>
        %dma_wait3A_139 = arith.constant 256 : i32
        %dma_wait3A_140 = tpu.memref_slice %arg6[%dma_wait3A_139] : memref<400xi32, #tpu.memory_space<vmem>> -> memref<128xi32, #tpu.memory_space<vmem>>
        %dma_wait3A_141 = arith.constant 0 : i32
        %dma_wait3A_142 = arith.constant 0 : i32
        %dma_wait3A_143 = tpu.memref_slice %arg9[%dma_wait3A_141, %dma_wait3A_142] : memref<102x96xf32, #tpu.memory_space<vmem_shared>> -> memref<102x96xf32, #tpu.memory_space<vmem_shared>>
        tpu.wait_indirect_dma semaphore(%arg10 : memref<!tpu.dma_semaphore, #tpu.memory_space<semaphore_mem>>) src(%dma_wait3A_143 : memref<102x96xf32, #tpu.memory_space<vmem_shared>>) dst(%dma_wait3A_138 : memref<128x96xf32, #tpu.memory_space<vmem>>)
        %dma_wait3A_144 = arith.constant 384 : i32
        %dma_wait3A_145 = arith.constant 0 : i32
        %dma_wait3A_146 = tpu.memref_slice %arg8[%dma_wait3A_144, %dma_wait3A_145] : memref<400x96xf32, #tpu.memory_space<vmem>> -> memref<16x96xf32, #tpu.memory_space<vmem>>
        %dma_wait3A_147 = arith.constant 384 : i32
        %dma_wait3A_148 = tpu.memref_slice %arg6[%dma_wait3A_147] : memref<400xi32, #tpu.memory_space<vmem>> -> memref<16xi32, #tpu.memory_space<vmem>>
        %dma_wait3A_149 = arith.constant 0 : i32
        %dma_wait3A_150 = arith.constant 0 : i32
        %dma_wait3A_151 = tpu.memref_slice %arg9[%dma_wait3A_149, %dma_wait3A_150] : memref<102x96xf32, #tpu.memory_space<vmem_shared>> -> memref<102x96xf32, #tpu.memory_space<vmem_shared>>
        tpu.wait_indirect_dma semaphore(%arg10 : memref<!tpu.dma_semaphore, #tpu.memory_space<semaphore_mem>>) src(%dma_wait3A_151 : memref<102x96xf32, #tpu.memory_space<vmem_shared>>) dst(%dma_wait3A_146 : memref<16x96xf32, #tpu.memory_space<vmem>>)
        %dma_start3A_152 = arith.constant 0 : i32
        %dma_start3A_153 = tpu.memref_slice %arg4[%mul3A_33, %dma_start3A_152] : memref<100000x96xf32, #tpu.memory_space<hbm>> -> memref<400x96xf32, #tpu.memory_space<hbm>>
        %dma_start3A_154 = arith.constant 0 : i32
        %dma_start3A_155 = tpu.memref_slice %arg4[%mul3A_33, %dma_start3A_154] : memref<100000x96xf32, #tpu.memory_space<hbm>> -> memref<400x96xf32, #tpu.memory_space<hbm>>
        tpu.enqueue_dma source(%arg8 : memref<400x96xf32, #tpu.memory_space<vmem>>) target(%dma_start3A_155 : memref<400x96xf32, #tpu.memory_space<hbm>>) target_semaphore(%arg14 : memref<!tpu.dma_semaphore, #tpu.memory_space<semaphore_mem>>)
      } else {
      }
    }
    %while3A_18 = arith.constant 1 : i32
    scf.for %while3A_28 = %while3A_16 to %while3A_12 step %while3A_18  : i32 {
      %mul3A_29 = arith.constant 32 : i32
      %mul3A_30 = arith.muli %mul3A_29, %while3A_28 : i32
      %add3A_31 = arith.addi %add3A, %mul3A_30 : i32
      %mul3A_32 = arith.constant 400 : i32
      %mul3A_33 = arith.muli %add3A_31, %mul3A_32 : i32
      %add3A_34 = arith.constant 1 : i32
      %add3A_35 = arith.addi %while3A_28, %add3A_34 : i32
      %lt3A_36 = arith.cmpi slt, %add3A_35, %add3A_4 : i32
      %convert_element_type3A_37 = arith.extui %lt3A_36 : i1 to i32
      %cond3A_38 = arith.constant 0 : i32
      %cond3A_39 = arith.cmpi ne, %convert_element_type3A_37, %cond3A_38 : i32
      scf.if %cond3A_39 {
        %jit3A_78 = arith.constant 2 : i32
        %eq3A_79 = arith.constant 0 : i32
        %eq3A_80 = arith.cmpi eq, %jit3A_78, %eq3A_79 : i32
        %jit3A_81 = arith.constant 1 : i32
        %select_n3A_82 = arith.select %eq3A_80, %jit3A_81, %jit3A_78 : i32
        %rem3A_83 = arith.remsi %while3A_28, %select_n3A_82 : i32
        %ne3A_84 = arith.constant 0 : i32
        %ne3A_85 = arith.cmpi ne, %rem3A_83, %ne3A_84 : i32
        %lt3A_86 = arith.constant 0 : i32
        %lt3A_87 = arith.cmpi slt, %rem3A_83, %lt3A_86 : i32
        %lt3A_88 = arith.constant 0 : i32
        %lt3A_89 = arith.cmpi slt, %select_n3A_82, %lt3A_88 : i32
        %ne3A_90 = arith.xori %lt3A_87, %lt3A_89 : i1
        %and3A_91 = arith.andi %ne3A_90, %ne3A_85 : i1
        %add3A_92 = arith.addi %rem3A_83, %select_n3A_82 : i32
        %select_n3A_93 = arith.select %and3A_91, %add3A_92, %rem3A_83 : i32
        %eq3A_94 = arith.constant 0 : i32
        %eq3A_95 = arith.cmpi eq, %select_n3A_93, %eq3A_94 : i32
        %convert_element_type3A_96 = arith.extui %eq3A_95 : i1 to i32
        %cond3A_97 = arith.constant 0 : i32
        %cond3A_98 = arith.cmpi ne, %convert_element_type3A_96, %cond3A_97 : i32
        scf.if %cond3A_98 {
          %add3A_120 = arith.constant 1 : i32
          %add3A_121 = arith.addi %while3A_28, %add3A_120 : i32
          %mul3A_122 = arith.constant 32 : i32
          %mul3A_123 = arith.muli %mul3A_122, %add3A_121 : i32
          %add3A_124 = arith.addi %add3A, %mul3A_123 : i32
          %mul3A_125 = arith.constant 400 : i32
          %mul3A_126 = arith.muli %add3A_124, %mul3A_125 : i32
          %dma_start3A_127 = tpu.memref_slice %arg2[%mul3A_126] : memref<100000xi32, #tpu.memory_space<hbm>> -> memref<400xi32, #tpu.memory_space<hbm>>
          %dma_start3A_128 = tpu.memref_slice %arg2[%mul3A_126] : memref<100000xi32, #tpu.memory_space<hbm>> -> memref<400xi32, #tpu.memory_space<hbm>>
          tpu.enqueue_dma source(%dma_start3A_128 : memref<400xi32, #tpu.memory_space<hbm>>) target(%arg6 : memref<400xi32, #tpu.memory_space<vmem>>) target_semaphore(%arg12 : memref<!tpu.dma_semaphore, #tpu.memory_space<semaphore_mem>>)
        } else {
        }
        %jit3A_99 = arith.constant 2 : i32
        %eq3A_100 = arith.constant 0 : i32
        %eq3A_101 = arith.cmpi eq, %jit3A_99, %eq3A_100 : i32
        %jit3A_102 = arith.constant 1 : i32
        %select_n3A_103 = arith.select %eq3A_101, %jit3A_102, %jit3A_99 : i32
        %rem3A_104 = arith.remsi %while3A_28, %select_n3A_103 : i32
        %ne3A_105 = arith.constant 0 : i32
        %ne3A_106 = arith.cmpi ne, %rem3A_104, %ne3A_105 : i32
        %lt3A_107 = arith.constant 0 : i32
        %lt3A_108 = arith.cmpi slt, %rem3A_104, %lt3A_107 : i32
        %lt3A_109 = arith.constant 0 : i32
        %lt3A_110 = arith.cmpi slt, %select_n3A_103, %lt3A_109 : i32
        %ne3A_111 = arith.xori %lt3A_108, %lt3A_110 : i1
        %and3A_112 = arith.andi %ne3A_111, %ne3A_106 : i1
        %add3A_113 = arith.addi %rem3A_104, %select_n3A_103 : i32
        %select_n3A_114 = arith.select %and3A_112, %add3A_113, %rem3A_104 : i32
        %eq3A_115 = arith.constant 1 : i32
        %eq3A_116 = arith.cmpi eq, %select_n3A_114, %eq3A_115 : i32
        %convert_element_type3A_117 = arith.extui %eq3A_116 : i1 to i32
        %cond3A_118 = arith.constant 0 : i32
        %cond3A_119 = arith.cmpi ne, %convert_element_type3A_117, %cond3A_118 : i32
        scf.if %cond3A_119 {
          %add3A_120 = arith.constant 1 : i32
          %add3A_121 = arith.addi %while3A_28, %add3A_120 : i32
          %mul3A_122 = arith.constant 32 : i32
          %mul3A_123 = arith.muli %mul3A_122, %add3A_121 : i32
          %add3A_124 = arith.addi %add3A, %mul3A_123 : i32
          %mul3A_125 = arith.constant 400 : i32
          %mul3A_126 = arith.muli %add3A_124, %mul3A_125 : i32
          %dma_start3A_127 = tpu.memref_slice %arg2[%mul3A_126] : memref<100000xi32, #tpu.memory_space<hbm>> -> memref<400xi32, #tpu.memory_space<hbm>>
          %dma_start3A_128 = tpu.memref_slice %arg2[%mul3A_126] : memref<100000xi32, #tpu.memory_space<hbm>> -> memref<400xi32, #tpu.memory_space<hbm>>
          tpu.enqueue_dma source(%dma_start3A_128 : memref<400xi32, #tpu.memory_space<hbm>>) target(%arg5 : memref<400xi32, #tpu.memory_space<vmem>>) target_semaphore(%arg11 : memref<!tpu.dma_semaphore, #tpu.memory_space<semaphore_mem>>)
        } else {
        }
      } else {
      }
      %jit3A_40 = arith.constant 2 : i32
      %eq3A = arith.constant 0 : i32
      %eq3A_41 = arith.cmpi eq, %jit3A_40, %eq3A : i32
      %jit3A_42 = arith.constant 1 : i32
      %select_n3A_43 = arith.select %eq3A_41, %jit3A_42, %jit3A_40 : i32
      %rem3A = arith.remsi %while3A_28, %select_n3A_43 : i32
      %ne3A = arith.constant 0 : i32
      %ne3A_44 = arith.cmpi ne, %rem3A, %ne3A : i32
      %lt3A_45 = arith.constant 0 : i32
      %lt3A_46 = arith.cmpi slt, %rem3A, %lt3A_45 : i32
      %lt3A_47 = arith.constant 0 : i32
      %lt3A_48 = arith.cmpi slt, %select_n3A_43, %lt3A_47 : i32
      %ne3A_49 = arith.xori %lt3A_46, %lt3A_48 : i1
      %and3A = arith.andi %ne3A_49, %ne3A_44 : i1
      %add3A_50 = arith.addi %rem3A, %select_n3A_43 : i32
      %select_n3A_51 = arith.select %and3A, %add3A_50, %rem3A : i32
      %eq3A_52 = arith.constant 0 : i32
      %eq3A_53 = arith.cmpi eq, %select_n3A_51, %eq3A_52 : i32
      %convert_element_type3A_54 = arith.extui %eq3A_53 : i1 to i32
      %cond3A_55 = arith.constant 0 : i32
      %cond3A_56 = arith.cmpi ne, %convert_element_type3A_54, %cond3A_55 : i32
      scf.if %cond3A_56 {
        %ge3A_78 = arith.constant 2 : i32
        %ge3A_79 = arith.cmpi sge, %while3A_28, %ge3A_78 : i32
        %convert_element_type3A_80 = arith.extui %ge3A_79 : i1 to i32
        %cond3A_81 = arith.constant 0 : i32
        %cond3A_82 = arith.cmpi ne, %convert_element_type3A_80, %cond3A_81 : i32
        scf.if %cond3A_82 {
          %dma_wait3A_156 = arith.constant 0 : i32
          %dma_wait3A_157 = tpu.memref_slice %arg4[%mul3A_33, %dma_wait3A_156] : memref<100000x96xf32, #tpu.memory_space<hbm>> -> memref<400x96xf32, #tpu.memory_space<hbm>>
          %dma_wait3A_158 = arith.constant 0 : i32
          %dma_wait3A_159 = tpu.memref_slice %arg4[%mul3A_33, %dma_wait3A_158] : memref<100000x96xf32, #tpu.memory_space<hbm>> -> memref<400x96xf32, #tpu.memory_space<hbm>>
          tpu.wait_dma2 semaphore(%arg13 : memref<!tpu.dma_semaphore, #tpu.memory_space<semaphore_mem>>) src(%arg7 : memref<400x96xf32, #tpu.memory_space<vmem>>) dst(%dma_wait3A_159 : memref<400x96xf32, #tpu.memory_space<hbm>>)
        } else {
        }
        %add3A_83 = arith.constant 0 : i32
        %add3A_84 = arith.addi %add3A, %add3A_83 : i32
        %mul3A_85 = arith.constant 400 : i32
        %mul3A_86 = arith.muli %add3A_84, %mul3A_85 : i32
        %dma_wait3A = tpu.memref_slice %arg2[%mul3A_86] : memref<100000xi32, #tpu.memory_space<hbm>> -> memref<400xi32, #tpu.memory_space<hbm>>
        %dma_wait3A_87 = tpu.memref_slice %arg2[%mul3A_86] : memref<100000xi32, #tpu.memory_space<hbm>> -> memref<400xi32, #tpu.memory_space<hbm>>
        tpu.wait_dma2 semaphore(%arg11 : memref<!tpu.dma_semaphore, #tpu.memory_space<semaphore_mem>>) src(%dma_wait3A_87 : memref<400xi32, #tpu.memory_space<hbm>>) dst(%arg5 : memref<400xi32, #tpu.memory_space<vmem>>)
        %dma_start3A_88 = arith.constant 0 : i32
        %dma_start3A_89 = arith.constant 0 : i32
        %dma_start3A_90 = tpu.memref_slice %arg7[%dma_start3A_88, %dma_start3A_89] : memref<400x96xf32, #tpu.memory_space<vmem>> -> memref<128x96xf32, #tpu.memory_space<vmem>>
        %dma_start3A_91 = arith.constant 0 : i32
        %dma_start3A_92 = tpu.memref_slice %arg5[%dma_start3A_91] : memref<400xi32, #tpu.memory_space<vmem>> -> memref<128xi32, #tpu.memory_space<vmem>>
        %dma_start3A_93 = arith.constant 0 : i32
        %dma_start3A_94 = arith.constant 0 : i32
        %dma_start3A_95 = tpu.memref_slice %arg9[%dma_start3A_93, %dma_start3A_94] : memref<102x96xf32, #tpu.memory_space<vmem_shared>> -> memref<102x96xf32, #tpu.memory_space<vmem_shared>>
        tpu.enqueue_indirect_dma source(%dma_start3A_95 : memref<102x96xf32, #tpu.memory_space<vmem_shared>>) target(%dma_start3A_90 : memref<128x96xf32, #tpu.memory_space<vmem>>) offsets(%dma_start3A_92 : memref<128xi32, #tpu.memory_space<vmem>>) semaphore(%arg10 : memref<!tpu.dma_semaphore, #tpu.memory_space<semaphore_mem>>)
        %dma_start3A_96 = arith.constant 128 : i32
        %dma_start3A_97 = arith.constant 0 : i32
        %dma_start3A_98 = tpu.memref_slice %arg7[%dma_start3A_96, %dma_start3A_97] : memref<400x96xf32, #tpu.memory_space<vmem>> -> memref<128x96xf32, #tpu.memory_space<vmem>>
        %dma_start3A_99 = arith.constant 128 : i32
        %dma_start3A_100 = tpu.memref_slice %arg5[%dma_start3A_99] : memref<400xi32, #tpu.memory_space<vmem>> -> memref<128xi32, #tpu.memory_space<vmem>>
        %dma_start3A_101 = arith.constant 0 : i32
        %dma_start3A_102 = arith.constant 0 : i32
        %dma_start3A_103 = tpu.memref_slice %arg9[%dma_start3A_101, %dma_start3A_102] : memref<102x96xf32, #tpu.memory_space<vmem_shared>> -> memref<102x96xf32, #tpu.memory_space<vmem_shared>>
        tpu.enqueue_indirect_dma source(%dma_start3A_103 : memref<102x96xf32, #tpu.memory_space<vmem_shared>>) target(%dma_start3A_98 : memref<128x96xf32, #tpu.memory_space<vmem>>) offsets(%dma_start3A_100 : memref<128xi32, #tpu.memory_space<vmem>>) semaphore(%arg10 : memref<!tpu.dma_semaphore, #tpu.memory_space<semaphore_mem>>)
        %dma_start3A_104 = arith.constant 256 : i32
        %dma_start3A_105 = arith.constant 0 : i32
        %dma_start3A_106 = tpu.memref_slice %arg7[%dma_start3A_104, %dma_start3A_105] : memref<400x96xf32, #tpu.memory_space<vmem>> -> memref<128x96xf32, #tpu.memory_space<vmem>>
        %dma_start3A_107 = arith.constant 256 : i32
        %dma_start3A_108 = tpu.memref_slice %arg5[%dma_start3A_107] : memref<400xi32, #tpu.memory_space<vmem>> -> memref<128xi32, #tpu.memory_space<vmem>>
        %dma_start3A_109 = arith.constant 0 : i32
        %dma_start3A_110 = arith.constant 0 : i32
        %dma_start3A_111 = tpu.memref_slice %arg9[%dma_start3A_109, %dma_start3A_110] : memref<102x96xf32, #tpu.memory_space<vmem_shared>> -> memref<102x96xf32, #tpu.memory_space<vmem_shared>>
        tpu.enqueue_indirect_dma source(%dma_start3A_111 : memref<102x96xf32, #tpu.memory_space<vmem_shared>>) target(%dma_start3A_106 : memref<128x96xf32, #tpu.memory_space<vmem>>) offsets(%dma_start3A_108 : memref<128xi32, #tpu.memory_space<vmem>>) semaphore(%arg10 : memref<!tpu.dma_semaphore, #tpu.memory_space<semaphore_mem>>)
        %dma_start3A_112 = arith.constant 384 : i32
        %dma_start3A_113 = arith.constant 0 : i32
        %dma_start3A_114 = tpu.memref_slice %arg7[%dma_start3A_112, %dma_start3A_113] : memref<400x96xf32, #tpu.memory_space<vmem>> -> memref<16x96xf32, #tpu.memory_space<vmem>>
        %dma_start3A_115 = arith.constant 384 : i32
        %dma_start3A_116 = tpu.memref_slice %arg5[%dma_start3A_115] : memref<400xi32, #tpu.memory_space<vmem>> -> memref<16xi32, #tpu.memory_space<vmem>>
        %dma_start3A_117 = arith.constant 0 : i32
        %dma_start3A_118 = arith.constant 0 : i32
        %dma_start3A_119 = tpu.memref_slice %arg9[%dma_start3A_117, %dma_start3A_118] : memref<102x96xf32, #tpu.memory_space<vmem_shared>> -> memref<102x96xf32, #tpu.memory_space<vmem_shared>>
        tpu.enqueue_indirect_dma source(%dma_start3A_119 : memref<102x96xf32, #tpu.memory_space<vmem_shared>>) target(%dma_start3A_114 : memref<16x96xf32, #tpu.memory_space<vmem>>) offsets(%dma_start3A_116 : memref<16xi32, #tpu.memory_space<vmem>>) semaphore(%arg10 : memref<!tpu.dma_semaphore, #tpu.memory_space<semaphore_mem>>)
        %dma_wait3A_120 = arith.constant 0 : i32
        %dma_wait3A_121 = arith.constant 0 : i32
        %dma_wait3A_122 = tpu.memref_slice %arg7[%dma_wait3A_120, %dma_wait3A_121] : memref<400x96xf32, #tpu.memory_space<vmem>> -> memref<128x96xf32, #tpu.memory_space<vmem>>
        %dma_wait3A_123 = arith.constant 0 : i32
        %dma_wait3A_124 = tpu.memref_slice %arg5[%dma_wait3A_123] : memref<400xi32, #tpu.memory_space<vmem>> -> memref<128xi32, #tpu.memory_space<vmem>>
        %dma_wait3A_125 = arith.constant 0 : i32
        %dma_wait3A_126 = arith.constant 0 : i32
        %dma_wait3A_127 = tpu.memref_slice %arg9[%dma_wait3A_125, %dma_wait3A_126] : memref<102x96xf32, #tpu.memory_space<vmem_shared>> -> memref<102x96xf32, #tpu.memory_space<vmem_shared>>
        tpu.wait_indirect_dma semaphore(%arg10 : memref<!tpu.dma_semaphore, #tpu.memory_space<semaphore_mem>>) src(%dma_wait3A_127 : memref<102x96xf32, #tpu.memory_space<vmem_shared>>) dst(%dma_wait3A_122 : memref<128x96xf32, #tpu.memory_space<vmem>>)
        %dma_wait3A_128 = arith.constant 128 : i32
        %dma_wait3A_129 = arith.constant 0 : i32
        %dma_wait3A_130 = tpu.memref_slice %arg7[%dma_wait3A_128, %dma_wait3A_129] : memref<400x96xf32, #tpu.memory_space<vmem>> -> memref<128x96xf32, #tpu.memory_space<vmem>>
        %dma_wait3A_131 = arith.constant 128 : i32
        %dma_wait3A_132 = tpu.memref_slice %arg5[%dma_wait3A_131] : memref<400xi32, #tpu.memory_space<vmem>> -> memref<128xi32, #tpu.memory_space<vmem>>
        %dma_wait3A_133 = arith.constant 0 : i32
        %dma_wait3A_134 = arith.constant 0 : i32
        %dma_wait3A_135 = tpu.memref_slice %arg9[%dma_wait3A_133, %dma_wait3A_134] : memref<102x96xf32, #tpu.memory_space<vmem_shared>> -> memref<102x96xf32, #tpu.memory_space<vmem_shared>>
        tpu.wait_indirect_dma semaphore(%arg10 : memref<!tpu.dma_semaphore, #tpu.memory_space<semaphore_mem>>) src(%dma_wait3A_135 : memref<102x96xf32, #tpu.memory_space<vmem_shared>>) dst(%dma_wait3A_130 : memref<128x96xf32, #tpu.memory_space<vmem>>)
        %dma_wait3A_136 = arith.constant 256 : i32
        %dma_wait3A_137 = arith.constant 0 : i32
        %dma_wait3A_138 = tpu.memref_slice %arg7[%dma_wait3A_136, %dma_wait3A_137] : memref<400x96xf32, #tpu.memory_space<vmem>> -> memref<128x96xf32, #tpu.memory_space<vmem>>
        %dma_wait3A_139 = arith.constant 256 : i32
        %dma_wait3A_140 = tpu.memref_slice %arg5[%dma_wait3A_139] : memref<400xi32, #tpu.memory_space<vmem>> -> memref<128xi32, #tpu.memory_space<vmem>>
        %dma_wait3A_141 = arith.constant 0 : i32
        %dma_wait3A_142 = arith.constant 0 : i32
        %dma_wait3A_143 = tpu.memref_slice %arg9[%dma_wait3A_141, %dma_wait3A_142] : memref<102x96xf32, #tpu.memory_space<vmem_shared>> -> memref<102x96xf32, #tpu.memory_space<vmem_shared>>
        tpu.wait_indirect_dma semaphore(%arg10 : memref<!tpu.dma_semaphore, #tpu.memory_space<semaphore_mem>>) src(%dma_wait3A_143 : memref<102x96xf32, #tpu.memory_space<vmem_shared>>) dst(%dma_wait3A_138 : memref<128x96xf32, #tpu.memory_space<vmem>>)
        %dma_wait3A_144 = arith.constant 384 : i32
        %dma_wait3A_145 = arith.constant 0 : i32
        %dma_wait3A_146 = tpu.memref_slice %arg7[%dma_wait3A_144, %dma_wait3A_145] : memref<400x96xf32, #tpu.memory_space<vmem>> -> memref<16x96xf32, #tpu.memory_space<vmem>>
        %dma_wait3A_147 = arith.constant 384 : i32
        %dma_wait3A_148 = tpu.memref_slice %arg5[%dma_wait3A_147] : memref<400xi32, #tpu.memory_space<vmem>> -> memref<16xi32, #tpu.memory_space<vmem>>
        %dma_wait3A_149 = arith.constant 0 : i32
        %dma_wait3A_150 = arith.constant 0 : i32
        %dma_wait3A_151 = tpu.memref_slice %arg9[%dma_wait3A_149, %dma_wait3A_150] : memref<102x96xf32, #tpu.memory_space<vmem_shared>> -> memref<102x96xf32, #tpu.memory_space<vmem_shared>>
        tpu.wait_indirect_dma semaphore(%arg10 : memref<!tpu.dma_semaphore, #tpu.memory_space<semaphore_mem>>) src(%dma_wait3A_151 : memref<102x96xf32, #tpu.memory_space<vmem_shared>>) dst(%dma_wait3A_146 : memref<16x96xf32, #tpu.memory_space<vmem>>)
        %dma_start3A_152 = arith.constant 0 : i32
        %dma_start3A_153 = tpu.memref_slice %arg4[%mul3A_33, %dma_start3A_152] : memref<100000x96xf32, #tpu.memory_space<hbm>> -> memref<400x96xf32, #tpu.memory_space<hbm>>
        %dma_start3A_154 = arith.constant 0 : i32
        %dma_start3A_155 = tpu.memref_slice %arg4[%mul3A_33, %dma_start3A_154] : memref<100000x96xf32, #tpu.memory_space<hbm>> -> memref<400x96xf32, #tpu.memory_space<hbm>>
        tpu.enqueue_dma source(%arg7 : memref<400x96xf32, #tpu.memory_space<vmem>>) target(%dma_start3A_155 : memref<400x96xf32, #tpu.memory_space<hbm>>) target_semaphore(%arg13 : memref<!tpu.dma_semaphore, #tpu.memory_space<semaphore_mem>>)
      } else {
      }
      %jit3A_57 = arith.constant 2 : i32
      %eq3A_58 = arith.constant 0 : i32
      %eq3A_59 = arith.cmpi eq, %jit3A_57, %eq3A_58 : i32
      %jit3A_60 = arith.constant 1 : i32
      %select_n3A_61 = arith.select %eq3A_59, %jit3A_60, %jit3A_57 : i32
      %rem3A_62 = arith.remsi %while3A_28, %select_n3A_61 : i32
      %ne3A_63 = arith.constant 0 : i32
      %ne3A_64 = arith.cmpi ne, %rem3A_62, %ne3A_63 : i32
      %lt3A_65 = arith.constant 0 : i32
      %lt3A_66 = arith.cmpi slt, %rem3A_62, %lt3A_65 : i32
      %lt3A_67 = arith.constant 0 : i32
      %lt3A_68 = arith.cmpi slt, %select_n3A_61, %lt3A_67 : i32
      %ne3A_69 = arith.xori %lt3A_66, %lt3A_68 : i1
      %and3A_70 = arith.andi %ne3A_69, %ne3A_64 : i1
      %add3A_71 = arith.addi %rem3A_62, %select_n3A_61 : i32
      %select_n3A_72 = arith.select %and3A_70, %add3A_71, %rem3A_62 : i32
      %eq3A_73 = arith.constant 1 : i32
      %eq3A_74 = arith.cmpi eq, %select_n3A_72, %eq3A_73 : i32
      %convert_element_type3A_75 = arith.extui %eq3A_74 : i1 to i32
      %cond3A_76 = arith.constant 0 : i32
      %cond3A_77 = arith.cmpi ne, %convert_element_type3A_75, %cond3A_76 : i32
      scf.if %cond3A_77 {
        %ge3A_78 = arith.constant 2 : i32
        %ge3A_79 = arith.cmpi sge, %while3A_28, %ge3A_78 : i32
        %convert_element_type3A_80 = arith.extui %ge3A_79 : i1 to i32
        %cond3A_81 = arith.constant 0 : i32
        %cond3A_82 = arith.cmpi ne, %convert_element_type3A_80, %cond3A_81 : i32
        scf.if %cond3A_82 {
          %dma_wait3A_156 = arith.constant 0 : i32
          %dma_wait3A_157 = tpu.memref_slice %arg4[%mul3A_33, %dma_wait3A_156] : memref<100000x96xf32, #tpu.memory_space<hbm>> -> memref<400x96xf32, #tpu.memory_space<hbm>>
          %dma_wait3A_158 = arith.constant 0 : i32
          %dma_wait3A_159 = tpu.memref_slice %arg4[%mul3A_33, %dma_wait3A_158] : memref<100000x96xf32, #tpu.memory_space<hbm>> -> memref<400x96xf32, #tpu.memory_space<hbm>>
          tpu.wait_dma2 semaphore(%arg14 : memref<!tpu.dma_semaphore, #tpu.memory_space<semaphore_mem>>) src(%arg8 : memref<400x96xf32, #tpu.memory_space<vmem>>) dst(%dma_wait3A_159 : memref<400x96xf32, #tpu.memory_space<hbm>>)
        } else {
        }
        %add3A_83 = arith.constant 0 : i32
        %add3A_84 = arith.addi %add3A, %add3A_83 : i32
        %mul3A_85 = arith.constant 400 : i32
        %mul3A_86 = arith.muli %add3A_84, %mul3A_85 : i32
        %dma_wait3A = tpu.memref_slice %arg2[%mul3A_86] : memref<100000xi32, #tpu.memory_space<hbm>> -> memref<400xi32, #tpu.memory_space<hbm>>
        %dma_wait3A_87 = tpu.memref_slice %arg2[%mul3A_86] : memref<100000xi32, #tpu.memory_space<hbm>> -> memref<400xi32, #tpu.memory_space<hbm>>
        tpu.wait_dma2 semaphore(%arg12 : memref<!tpu.dma_semaphore, #tpu.memory_space<semaphore_mem>>) src(%dma_wait3A_87 : memref<400xi32, #tpu.memory_space<hbm>>) dst(%arg6 : memref<400xi32, #tpu.memory_space<vmem>>)
        %dma_start3A_88 = arith.constant 0 : i32
        %dma_start3A_89 = arith.constant 0 : i32
        %dma_start3A_90 = tpu.memref_slice %arg8[%dma_start3A_88, %dma_start3A_89] : memref<400x96xf32, #tpu.memory_space<vmem>> -> memref<128x96xf32, #tpu.memory_space<vmem>>
        %dma_start3A_91 = arith.constant 0 : i32
        %dma_start3A_92 = tpu.memref_slice %arg6[%dma_start3A_91] : memref<400xi32, #tpu.memory_space<vmem>> -> memref<128xi32, #tpu.memory_space<vmem>>
        %dma_start3A_93 = arith.constant 0 : i32
        %dma_start3A_94 = arith.constant 0 : i32
        %dma_start3A_95 = tpu.memref_slice %arg9[%dma_start3A_93, %dma_start3A_94] : memref<102x96xf32, #tpu.memory_space<vmem_shared>> -> memref<102x96xf32, #tpu.memory_space<vmem_shared>>
        tpu.enqueue_indirect_dma source(%dma_start3A_95 : memref<102x96xf32, #tpu.memory_space<vmem_shared>>) target(%dma_start3A_90 : memref<128x96xf32, #tpu.memory_space<vmem>>) offsets(%dma_start3A_92 : memref<128xi32, #tpu.memory_space<vmem>>) semaphore(%arg10 : memref<!tpu.dma_semaphore, #tpu.memory_space<semaphore_mem>>)
        %dma_start3A_96 = arith.constant 128 : i32
        %dma_start3A_97 = arith.constant 0 : i32
        %dma_start3A_98 = tpu.memref_slice %arg8[%dma_start3A_96, %dma_start3A_97] : memref<400x96xf32, #tpu.memory_space<vmem>> -> memref<128x96xf32, #tpu.memory_space<vmem>>
        %dma_start3A_99 = arith.constant 128 : i32
        %dma_start3A_100 = tpu.memref_slice %arg6[%dma_start3A_99] : memref<400xi32, #tpu.memory_space<vmem>> -> memref<128xi32, #tpu.memory_space<vmem>>
        %dma_start3A_101 = arith.constant 0 : i32
        %dma_start3A_102 = arith.constant 0 : i32
        %dma_start3A_103 = tpu.memref_slice %arg9[%dma_start3A_101, %dma_start3A_102] : memref<102x96xf32, #tpu.memory_space<vmem_shared>> -> memref<102x96xf32, #tpu.memory_space<vmem_shared>>
        tpu.enqueue_indirect_dma source(%dma_start3A_103 : memref<102x96xf32, #tpu.memory_space<vmem_shared>>) target(%dma_start3A_98 : memref<128x96xf32, #tpu.memory_space<vmem>>) offsets(%dma_start3A_100 : memref<128xi32, #tpu.memory_space<vmem>>) semaphore(%arg10 : memref<!tpu.dma_semaphore, #tpu.memory_space<semaphore_mem>>)
        %dma_start3A_104 = arith.constant 256 : i32
        %dma_start3A_105 = arith.constant 0 : i32
        %dma_start3A_106 = tpu.memref_slice %arg8[%dma_start3A_104, %dma_start3A_105] : memref<400x96xf32, #tpu.memory_space<vmem>> -> memref<128x96xf32, #tpu.memory_space<vmem>>
        %dma_start3A_107 = arith.constant 256 : i32
        %dma_start3A_108 = tpu.memref_slice %arg6[%dma_start3A_107] : memref<400xi32, #tpu.memory_space<vmem>> -> memref<128xi32, #tpu.memory_space<vmem>>
        %dma_start3A_109 = arith.constant 0 : i32
        %dma_start3A_110 = arith.constant 0 : i32
        %dma_start3A_111 = tpu.memref_slice %arg9[%dma_start3A_109, %dma_start3A_110] : memref<102x96xf32, #tpu.memory_space<vmem_shared>> -> memref<102x96xf32, #tpu.memory_space<vmem_shared>>
        tpu.enqueue_indirect_dma source(%dma_start3A_111 : memref<102x96xf32, #tpu.memory_space<vmem_shared>>) target(%dma_start3A_106 : memref<128x96xf32, #tpu.memory_space<vmem>>) offsets(%dma_start3A_108 : memref<128xi32, #tpu.memory_space<vmem>>) semaphore(%arg10 : memref<!tpu.dma_semaphore, #tpu.memory_space<semaphore_mem>>)
        %dma_start3A_112 = arith.constant 384 : i32
        %dma_start3A_113 = arith.constant 0 : i32
        %dma_start3A_114 = tpu.memref_slice %arg8[%dma_start3A_112, %dma_start3A_113] : memref<400x96xf32, #tpu.memory_space<vmem>> -> memref<16x96xf32, #tpu.memory_space<vmem>>
        %dma_start3A_115 = arith.constant 384 : i32
        %dma_start3A_116 = tpu.memref_slice %arg6[%dma_start3A_115] : memref<400xi32, #tpu.memory_space<vmem>> -> memref<16xi32, #tpu.memory_space<vmem>>
        %dma_start3A_117 = arith.constant 0 : i32
        %dma_start3A_118 = arith.constant 0 : i32
        %dma_start3A_119 = tpu.memref_slice %arg9[%dma_start3A_117, %dma_start3A_118] : memref<102x96xf32, #tpu.memory_space<vmem_shared>> -> memref<102x96xf32, #tpu.memory_space<vmem_shared>>
        tpu.enqueue_indirect_dma source(%dma_start3A_119 : memref<102x96xf32, #tpu.memory_space<vmem_shared>>) target(%dma_start3A_114 : memref<16x96xf32, #tpu.memory_space<vmem>>) offsets(%dma_start3A_116 : memref<16xi32, #tpu.memory_space<vmem>>) semaphore(%arg10 : memref<!tpu.dma_semaphore, #tpu.memory_space<semaphore_mem>>)
        %dma_wait3A_120 = arith.constant 0 : i32
        %dma_wait3A_121 = arith.constant 0 : i32
        %dma_wait3A_122 = tpu.memref_slice %arg8[%dma_wait3A_120, %dma_wait3A_121] : memref<400x96xf32, #tpu.memory_space<vmem>> -> memref<128x96xf32, #tpu.memory_space<vmem>>
        %dma_wait3A_123 = arith.constant 0 : i32
        %dma_wait3A_124 = tpu.memref_slice %arg6[%dma_wait3A_123] : memref<400xi32, #tpu.memory_space<vmem>> -> memref<128xi32, #tpu.memory_space<vmem>>
        %dma_wait3A_125 = arith.constant 0 : i32
        %dma_wait3A_126 = arith.constant 0 : i32
        %dma_wait3A_127 = tpu.memref_slice %arg9[%dma_wait3A_125, %dma_wait3A_126] : memref<102x96xf32, #tpu.memory_space<vmem_shared>> -> memref<102x96xf32, #tpu.memory_space<vmem_shared>>
        tpu.wait_indirect_dma semaphore(%arg10 : memref<!tpu.dma_semaphore, #tpu.memory_space<semaphore_mem>>) src(%dma_wait3A_127 : memref<102x96xf32, #tpu.memory_space<vmem_shared>>) dst(%dma_wait3A_122 : memref<128x96xf32, #tpu.memory_space<vmem>>)
        %dma_wait3A_128 = arith.constant 128 : i32
        %dma_wait3A_129 = arith.constant 0 : i32
        %dma_wait3A_130 = tpu.memref_slice %arg8[%dma_wait3A_128, %dma_wait3A_129] : memref<400x96xf32, #tpu.memory_space<vmem>> -> memref<128x96xf32, #tpu.memory_space<vmem>>
        %dma_wait3A_131 = arith.constant 128 : i32
        %dma_wait3A_132 = tpu.memref_slice %arg6[%dma_wait3A_131] : memref<400xi32, #tpu.memory_space<vmem>> -> memref<128xi32, #tpu.memory_space<vmem>>
        %dma_wait3A_133 = arith.constant 0 : i32
        %dma_wait3A_134 = arith.constant 0 : i32
        %dma_wait3A_135 = tpu.memref_slice %arg9[%dma_wait3A_133, %dma_wait3A_134] : memref<102x96xf32, #tpu.memory_space<vmem_shared>> -> memref<102x96xf32, #tpu.memory_space<vmem_shared>>
        tpu.wait_indirect_dma semaphore(%arg10 : memref<!tpu.dma_semaphore, #tpu.memory_space<semaphore_mem>>) src(%dma_wait3A_135 : memref<102x96xf32, #tpu.memory_space<vmem_shared>>) dst(%dma_wait3A_130 : memref<128x96xf32, #tpu.memory_space<vmem>>)
        %dma_wait3A_136 = arith.constant 256 : i32
        %dma_wait3A_137 = arith.constant 0 : i32
        %dma_wait3A_138 = tpu.memref_slice %arg8[%dma_wait3A_136, %dma_wait3A_137] : memref<400x96xf32, #tpu.memory_space<vmem>> -> memref<128x96xf32, #tpu.memory_space<vmem>>
        %dma_wait3A_139 = arith.constant 256 : i32
        %dma_wait3A_140 = tpu.memref_slice %arg6[%dma_wait3A_139] : memref<400xi32, #tpu.memory_space<vmem>> -> memref<128xi32, #tpu.memory_space<vmem>>
        %dma_wait3A_141 = arith.constant 0 : i32
        %dma_wait3A_142 = arith.constant 0 : i32
        %dma_wait3A_143 = tpu.memref_slice %arg9[%dma_wait3A_141, %dma_wait3A_142] : memref<102x96xf32, #tpu.memory_space<vmem_shared>> -> memref<102x96xf32, #tpu.memory_space<vmem_shared>>
        tpu.wait_indirect_dma semaphore(%arg10 : memref<!tpu.dma_semaphore, #tpu.memory_space<semaphore_mem>>) src(%dma_wait3A_143 : memref<102x96xf32, #tpu.memory_space<vmem_shared>>) dst(%dma_wait3A_138 : memref<128x96xf32, #tpu.memory_space<vmem>>)
        %dma_wait3A_144 = arith.constant 384 : i32
        %dma_wait3A_145 = arith.constant 0 : i32
        %dma_wait3A_146 = tpu.memref_slice %arg8[%dma_wait3A_144, %dma_wait3A_145] : memref<400x96xf32, #tpu.memory_space<vmem>> -> memref<16x96xf32, #tpu.memory_space<vmem>>
        %dma_wait3A_147 = arith.constant 384 : i32
        %dma_wait3A_148 = tpu.memref_slice %arg6[%dma_wait3A_147] : memref<400xi32, #tpu.memory_space<vmem>> -> memref<16xi32, #tpu.memory_space<vmem>>
        %dma_wait3A_149 = arith.constant 0 : i32
        %dma_wait3A_150 = arith.constant 0 : i32
        %dma_wait3A_151 = tpu.memref_slice %arg9[%dma_wait3A_149, %dma_wait3A_150] : memref<102x96xf32, #tpu.memory_space<vmem_shared>> -> memref<102x96xf32, #tpu.memory_space<vmem_shared>>
        tpu.wait_indirect_dma semaphore(%arg10 : memref<!tpu.dma_semaphore, #tpu.memory_space<semaphore_mem>>) src(%dma_wait3A_151 : memref<102x96xf32, #tpu.memory_space<vmem_shared>>) dst(%dma_wait3A_146 : memref<16x96xf32, #tpu.memory_space<vmem>>)
        %dma_start3A_152 = arith.constant 0 : i32
        %dma_start3A_153 = tpu.memref_slice %arg4[%mul3A_33, %dma_start3A_152] : memref<100000x96xf32, #tpu.memory_space<hbm>> -> memref<400x96xf32, #tpu.memory_space<hbm>>
        %dma_start3A_154 = arith.constant 0 : i32
        %dma_start3A_155 = tpu.memref_slice %arg4[%mul3A_33, %dma_start3A_154] : memref<100000x96xf32, #tpu.memory_space<hbm>> -> memref<400x96xf32, #tpu.memory_space<hbm>>
        tpu.enqueue_dma source(%arg8 : memref<400x96xf32, #tpu.memory_space<vmem>>) target(%dma_start3A_155 : memref<400x96xf32, #tpu.memory_space<hbm>>) target_semaphore(%arg14 : memref<!tpu.dma_semaphore, #tpu.memory_space<semaphore_mem>>)
      } else {
      }
    }
    %mul3A_19 = arith.constant 400 : i32
    %mul3A_20 = arith.muli %add3A, %mul3A_19 : i32
    %ge3A = arith.constant 1 : i32
    %ge3A_21 = arith.cmpi sge, %add3A_4, %ge3A : i32
    %convert_element_type3A = arith.extui %ge3A_21 : i1 to i32
    %cond3A = arith.constant 0 : i32
    %cond3A_22 = arith.cmpi ne, %convert_element_type3A, %cond3A : i32
    scf.if %cond3A_22 {
      %dma_wait3A = arith.constant 0 : i32
      %dma_wait3A_28 = tpu.memref_slice %arg4[%mul3A_20, %dma_wait3A] : memref<100000x96xf32, #tpu.memory_space<hbm>> -> memref<400x96xf32, #tpu.memory_space<hbm>>
      %dma_wait3A_29 = arith.constant 0 : i32
      %dma_wait3A_30 = tpu.memref_slice %arg4[%mul3A_20, %dma_wait3A_29] : memref<100000x96xf32, #tpu.memory_space<hbm>> -> memref<400x96xf32, #tpu.memory_space<hbm>>
      tpu.wait_dma2 semaphore(%arg13 : memref<!tpu.dma_semaphore, #tpu.memory_space<semaphore_mem>>) src(%arg7 : memref<400x96xf32, #tpu.memory_space<vmem>>) dst(%dma_wait3A_30 : memref<400x96xf32, #tpu.memory_space<hbm>>)
    } else {
    }
    %ge3A_23 = arith.constant 2 : i32
    %ge3A_24 = arith.cmpi sge, %add3A_4, %ge3A_23 : i32
    %convert_element_type3A_25 = arith.extui %ge3A_24 : i1 to i32
    %cond3A_26 = arith.constant 0 : i32
    %cond3A_27 = arith.cmpi ne, %convert_element_type3A_25, %cond3A_26 : i32
    scf.if %cond3A_27 {
      %dma_wait3A = arith.constant 0 : i32
      %dma_wait3A_28 = tpu.memref_slice %arg4[%mul3A_20, %dma_wait3A] : memref<100000x96xf32, #tpu.memory_space<hbm>> -> memref<400x96xf32, #tpu.memory_space<hbm>>
      %dma_wait3A_29 = arith.constant 0 : i32
      %dma_wait3A_30 = tpu.memref_slice %arg4[%mul3A_20, %dma_wait3A_29] : memref<100000x96xf32, #tpu.memory_space<hbm>> -> memref<400x96xf32, #tpu.memory_space<hbm>>
      tpu.wait_dma2 semaphore(%arg14 : memref<!tpu.dma_semaphore, #tpu.memory_space<semaphore_mem>>) src(%arg8 : memref<400x96xf32, #tpu.memory_space<vmem>>) dst(%dma_wait3A_30 : memref<400x96xf32, #tpu.memory_space<hbm>>)
    } else {
    }
    return
  }
}

</mosaic_0001>

<sc_bundles>
// kernel: kernel.3.cloned.1.call-start
scs
__scs_entry_jumppad:
0x0: {  	(pc) =	sbr.rel $0x88, $3  }
0x1: {  	(tag) =	ssettag $0x0;
	lr =	simm.s32 $0x1  }
0x2: {  	[smem:$0x3F9F] =	sst lr;
	_ =	strace $0xD0000000  }
0x3: {  	_ = 	snop  }
0x4: {  	_ = 	snop  }
0x5: {  	_ = 	snop  }
0x6: {  	_ = 	snop  }
0x7: {  	_ = 	snop  }
__scs_overlays_trampoline_lowered:
0x8: {  	[smem:$0x3FAE] =	sst s0  }
0x9: {  	[smem:$0x3FAF] =	sst s1  }
0xa: {  	[smem:$0x3FB0] =	sst s2  }
0xb: {  	[smem:$0x3FB1] =	sst s3  }
0xc: {  	[smem:$0x3FB2] =	sst s4  }
0xd: {  	[smem:$0x3FB3] =	sst s5  }
0xe: {  	[smem:$0x3FB4] =	sst s6  }
0xf: {  	[smem:$0x3FB5] =	sst s7  }
0x10: {  	[smem:$0x3FB6] =	sst s8  }
0x11: {  	[smem:$0x3FB7] =	sst s9;
	s0 =	simm.s32 @!p0 $0x0  }
0x12: {  	s1 =	sld [smem:$0x3F9D];
	s0 =	simm.s32 @p0 $0x1  }
0x13: {  	[smem:$0x3FB8] =	sst s0;
	s0 =	simm.s32 @!p1 $0x0  }
0x14: {  	s2 =	sld [smem:$0x3F9C];
	s0 =	simm.s32 @p1 $0x1  }
0x15: {  	[smem:$0x3FB9] =	sst s0;
	s0 =	simm.s32 @!p2 $0x0  }
0x16: {  	s3 =	sld [smem:$0x3FDB];
	s0 =	simm.s32 @p2 $0x1  }
0x17: {  	s4 =	simm.s32 $0x1BF5;
	[smem:$0x3FBB] =	sst s0  }
0x18: {  	s0 =	sld [smem:$0x3F9E];
	_ =	swait.ge [sflag:s4], $0x0  }
0x19: {  	s7 =	sld [smem:$0x3F9F]  }
0x1a: {  	s8 =	sadd.s32 $0xFFFFE003, lr  }
0x1b: {  	s9 =	sadd.s32 $0xFFFFFEF7, lr;
	s5 =	simm.s32 $0xFFFFFFFF;
	p2 =	slt.u32 s8, $0xFFFFF086  }
0x1c: {  	p1 =	slt.u32 s9, $0xF7A;
	s5 =	simm.s32 @!p2 $0x0  }
0x1d: {  	s5 =	simm.s32 @p1 $0x1;
	p0 =	seq.s32 s7, s2  }
0x1e: {  	s7 =	smul.u32 @!p0 $0xF7A, s2;
	p2 =	seq.s32 @!p0 s5, $0x0  }
0x1f: {  	s9 =	smul.u32 $0xF7A, s1;
	s8 =	simm.s32 @!p0 $0x1BF5;
	p2 =	por !p2, p0  }
0x20: {  	[sflag:s8] =	ssyncset.s32 @!p0 $0xFFFFF086;
	s6 =	sadd.s32 @!p0 s3, s7;
	s7 =	simm.s32 @!p0 $0x108  }
0x21: {  	s3 =	sadd.s32 s3, s9;
	s6 =	sadd.s32 @!p0 $0x88, s6;
	s7 =	simm.s32 @p2 $0x1082  }
0x22: {  	[simem:s7], [sflag:s8] =	dma.local @!p0 [hbm:s6], $0xF7A  }
0x23: {  	s9 =	sor.u32 $0xD0000000, s2;
	s6 =	simm.s32 $0x108;
	_ =	swait.ge @!p0 [sflag:s8], $0x0  }
0x24: {  	s3 =	sadd.s32 $0x88, s3;
	s6 =	simm.s32 @!p1 $0x1082;
	[sflag:s4] =	ssyncset.s32 $0xFFFFF086  }
0x25: {  	[simem:s6], [sflag:s4] =	dma.local [hbm:s3], $0xF7A  }
0x26: {  	[smem:$0x3F9F] =	sst s1;
	(tag) =	ssettag s2;
	_ =	strace s9  }
0x27: {  	s1 =	sld [smem:$0x3FAF]  }
0x28: {  	s2 =	sld [smem:$0x3FB0]  }
0x29: {  	s4 =	sld [smem:$0x3FB2]  }
0x2a: {  	p0 =	seq.s32 s5, $0x0;
	s5 =	sld [smem:$0x3FB3]  }
0x2b: {  	s6 =	sld [smem:$0x3FB4]  }
0x2c: {  	s7 =	sld [smem:$0x3FB5]  }
0x2d: {  	s3 =	simm.s32 $0x108;
	s8 =	sld [smem:$0x3FB6]  }
0x2e: {  	s3 =	simm.s32 @!p0 $0x1082;
	s9 =	sld [smem:$0x3FB7]  }
0x2f: {  	lr =	sadd.s32 s0, s3;
	s0 =	sld [smem:$0x3FAE]  }
0x30: {  	s3 =	sld [smem:$0x3FB1]  }
0x31: {  	[smem:$0x3FBA] =	sst s10  }
0x32: {  	s10 =	sld [smem:$0x3FB8];
	_ =	sdelay $0x3  }
0x33: {  	p0 =	seq.s32 s10, $0x1;
	s10 =	sld [smem:$0x3FBA];
	_ =	sdelay $0x3  }
0x34: {  	[smem:$0x3FBA] =	sst s10  }
0x35: {  	s10 =	sld [smem:$0x3FB9];
	_ =	sdelay $0x3  }
0x36: {  	p1 =	seq.s32 s10, $0x1;
	s10 =	sld [smem:$0x3FBA];
	_ =	sdelay $0x3  }
0x37: {  	[smem:$0x3FBA] =	sst s10  }
0x38: {  	s10 =	sld [smem:$0x3FBB]  }
0x39: {  	_ = 	snop;
	(pc) =	sbr.ind lr, $3  }
0x3a: {  	_ = 	snop  }
0x3b: {  	_ = 	snop  }
0x3c: {  	p2 =	seq.s32 s10, $0x1;
	s10 =	sld [smem:$0x3FBA]  }
0x3d: {  	_ =	shalt  }
0x3e: {  	_ =	shalt  }
0x3f: {  	_ =	shalt  }
0x40: {  	_ =	shalt  }
0x41: {  	_ =	shalt  }
0x42: {  	_ =	shalt  }
0x43: {  	_ =	shalt  }
0x44: {  	_ =	shalt  }
0x45: {  	_ =	shalt  }
0x46: {  	_ =	shalt  }
0x47: {  	_ =	shalt  }
0x48: {  	_ =	shalt  }
0x49: {  	_ =	shalt  }
0x4a: {  	_ =	shalt  }
0x4b: {  	_ =	shalt  }
0x4c: {  	_ =	shalt  }
0x4d: {  	_ =	shalt  }
0x4e: {  	_ =	shalt  }
0x4f: {  	_ =	shalt  }
0x50: {  	_ =	shalt  }
0x51: {  	_ =	shalt  }
0x52: {  	_ =	shalt  }
0x53: {  	_ =	shalt  }
0x54: {  	_ =	shalt  }
0x55: {  	_ =	shalt  }
0x56: {  	_ =	shalt  }
0x57: {  	_ =	shalt  }
0x58: {  	_ =	shalt  }
0x59: {  	_ =	shalt  }
0x5a: {  	_ =	shalt  }
0x5b: {  	_ =	shalt  }
0x5c: {  	_ =	shalt  }
0x5d: {  	_ =	shalt  }
0x5e: {  	_ =	shalt  }
0x5f: {  	_ =	shalt  }
0x60: {  	_ =	shalt  }
0x61: {  	_ =	shalt  }
0x62: {  	_ =	shalt  }
0x63: {  	_ =	shalt  }
0x64: {  	_ =	shalt  }
0x65: {  	_ =	shalt  }
0x66: {  	_ =	shalt  }
0x67: {  	_ =	shalt  }
0x68: {  	_ =	shalt  }
0x69: {  	_ =	shalt  }
0x6a: {  	_ =	shalt  }
0x6b: {  	_ =	shalt  }
0x6c: {  	_ =	shalt  }
0x6d: {  	_ =	shalt  }
0x6e: {  	_ =	shalt  }
0x6f: {  	_ =	shalt  }
0x70: {  	_ =	shalt  }
0x71: {  	_ =	shalt  }
0x72: {  	_ =	shalt  }
0x73: {  	_ =	shalt  }
0x74: {  	_ =	shalt  }
0x75: {  	_ =	shalt  }
0x76: {  	_ =	shalt  }
0x77: {  	_ =	shalt  }
0x78: {  	_ =	shalt  }
0x79: {  	_ =	shalt  }
0x7a: {  	_ =	shalt  }
0x7b: {  	_ =	shalt  }
0x7c: {  	_ =	shalt  }
0x7d: {  	_ =	shalt  }
0x7e: {  	_ =	shalt  }
0x7f: {  	_ =	shalt  }
0x80: {  	_ =	shalt  }
0x81: {  	_ =	shalt  }
0x82: {  	_ =	shalt  }
0x83: {  	_ =	shalt  }
0x84: {  	_ =	shalt  }
0x85: {  	_ =	shalt  }
0x86: {  	_ =	shalt  }
0x87: {  	_ =	shalt  }
.Lfunc_end0:
.L_simem_size_0:
called_computation.1_lowered:
.L_overlay_start_0:
0x88: {  	s2 =	sld [smem:$0x3FD9]  }
0x89: {  	s3 =	sld [smem:$0x3FFE];
	_ =	sdelay $0x1  }
0x8a: {  	s1 =	srdreg.scid  }
0x8b: {  	s0 =	sand.u32 $0x1, s1  }
0x8c: {  	s17 =	sshll.u32 s0, $0xA;
	s2 =	sadd.s32 s3, s2  }
0x8d: {  	s2 =	sadd.s32 s2, s17  }
0x8e: {  	[smem:$0x3FC6] =	sst s2  }
0x8f: {  	_ = 	snop  }
0x90: {  	s2 =	sld [smem:$0x3FC9]  }
0x91: {  	s18 =	sld [smem:$0x3FD0];
	(tm) =	ssettm $0x1  }
0x92: {  	s4 =	sld [smem:$0x3FFB];
	_ =	sdelay $0x3  }
0x93: {  	_ =	strace s4  }
0x94: {  	s4 =	sld [smem:$0x3FFC];
	_ =	sdelay $0x3  }
0x95: {  	_ =	strace s4  }
0x96: {  	s4 =	sld [smem:$0x3FFD];
	_ =	sdelay $0x3  }
0x97: {  	_ =	strace s4  }
0x98: {  	_ =	strace $0x8FFFFFFF  }
0x99: {  	s19 =	sld [smem:$0x3FDB];
	_ =	sdelay $0x1  }
0x9a: {  	s5 =	simm.s32 $_scs_section_size  }
0x9b: {  	s6 =	simm.s32 $_size__tile_overlayer_lowered;
	s7 =	simm.s32 $_tile_overlayer_lowered  }
0x9c: {  	s22 =	simm.s32 $0x1BFF;
	s21 =	sshll.u32 s7, $0x1;
	s4 =	sadd.s32 s5, s19  }
0x9d: {  	s8 =	simm.s32 $0x0;
	s20 =	sshll.u32 s6, $0x1;
	s6 =	sadd.s32 s21, s4  }
0x9e: {  	[timem:s8], [sflag:s22] =	dma.local [hbm:s6], s20  }
0x9f: {  	_ =	swait.ge [sflag:s22], s20  }
0xa0: {  	s5 =	ssub.s32 $0x0, s20;
	[sflag:s22] =	ssyncset.done $0x0  }
0xa1: {  	[sflag:s22] =	ssyncadd.s32 s5;
	_ =	sdelay $0x1  }
0xa2: {  	s23 =	simm.s32 $0x1B8B  }
0xa3: {  	_ =	swait.ge [sflag:s23], $0x1  }
0xa4: {  	[sflag:s23] =	ssyncset.done $0x0  }
0xa5: {  	s25 =	simm.s32 $0x1B8E;
	s24 =	sld [smem:$0x3FFE];
	[sflag:s23] =	ssyncadd.s32 $0xFFFFFFFF  }
0xa6: {  	s26 =	simm.s32 $execute0_lowered;
	[smem:$0x3FD2] =	sst s25  }
0xa7: {  	s6 =	sshll.u32 s26, $0x1;
	_ =	strace $0x80000046;
	[dreg:$0x1] =	wrdreg $0xFFFFFFFF  }
0xa8: {  	s28 =	simm.s32 $_size_execute0_lowered;
	s4 =	sadd.s32 s4, s6;
	[dreg:$0x0] =	wrdreg $0x0  }
0xa9: {  	s6 =	sshll.u32 s28, $0x1;
	[dreg:$0x2] =	wrdreg s4  }
0xaa: {  	[dreg:$0x3] =	wrdreg s6  }
0xab: {  	[dreg:$0x4] =	wrdreg $0xC0  }
0xac: {  	_ =	task [dreg:s8], $0x5FFFF  }
0xad: {  	[dreg:$0x1] =	wrdreg $0xFFFFFFFF  }
0xae: {  	[dreg:$0x0] =	wrdreg $0x60  }
0xaf: {  	[dreg:$0x2] =	wrdreg s2  }
0xb0: {  	[dreg:$0x3] =	wrdreg s24  }
0xb1: {  	[dreg:$0x4] =	wrdreg s18  }
0xb2: {  	[dreg:$0x5] =	wrdreg $0x12F200  }
0xb3: {  	[dreg:$0x6] =	wrdreg $0x9  }
0xb4: {  	_ =	task.clear_ibuf [dreg:s8], $0x7FFFF;
	_ =	strace $0x90000046  }
0xb5: {  	s29 =	simm.s32 $0x9;
	_ =	strace $0x80000048  }
0xb6: {  	_ =	swait.ge [sflag:s29], $0x1  }
0xb7: {  	[sflag:s29] =	ssyncadd.s32 $0xFFFFFFFF  }
0xb8: {  	_ =	strace $0x90000048  }
0xb9: {  	_ =	sfence  }
0xba: {  	s30 =	sld [smem:$0x0];
	_ =	sdelay $0x2  }
0xbb: {  	s31 =	sshll.u32 s1, $0xD;
	s1 =	sshrl.u32 s1, $0x2  }
0xbc: {  	s3 =	sand.u32 $0x4000, s31;
	s1 =	sadd.s32 s1, s30  }
0xbd: {  	s0 =	sor.u32 s3, s0;
	s1 =	sshll.u32 s1, $0x11  }
0xbe: {  	s0 =	sor.u32 s1, s0  }
0xbf: {  	s0 =	sadd.s32 $0x8F2B, s0  }
0xc0: {  	[sflag:s0] =	ssyncadd.remote.s32 $0x1  }
0xc1: {  	_ =	sfence.sel $0xFFFF  }
0xc2: {  	[dreg:$0x0] =	wrdreg $0xFFFFFFFF;
	(pc) =	sbr.abs _section_cstart, $3  }
0xc3: {  	[dreg:$0x1] =	wrdreg $0xFFFFFFFF  }
0xc4: {  	_ =	task.clear_ibuf [dreg:s8], $0x2FFFF;
	_ =	strace $0x9FFFFFFF  }
0xc5: {  	(tm) =	ssettm $0x7FFFFFFF  }
tec
execute0_lowered:
.L_overlay_start_1:
0x0: {  	(tag) =	ssettag $0x1  }
0x1: {  	s0 =	rddreg [dreg:$0x0]  }
0x2: {  	s1 =	rddreg [dreg:$0x1]  }
0x3: {  	s2 =	rddreg [dreg:$0x2]  }
0x4: {  	s3 =	rddreg [dreg:$0x3];
	s5 =	srdreg.scid  }
0x5: {  	s11 =	stileid.u32;
	s4 =	simm.s32 $0x0;
	s14 =	simm.s32 $0x190  }
0x6: {  	s15 =	simm.s32 $0x3;
	s16 =	simm.s32 $0x80;
	s17 =	simm.s32 $0x9920  }
0x7: {  	s18 =	simm.s32 $0x210;
	s19 =	simm.s32 $0xC920;
	s20 =	simm.s32 $0x290  }
0x8: {  	s28 =	simm.s32 $0x5;
	s29 =	simm.s32 $0x2;
	s30 =	simm.s32 $0x320  }
0x9: {  	s31 =	simm.s32 $0x3320;
	s5 =	sand.u32 $0x1, s5;
	s6 =	sshll.u32 s11, $0x1  }
0xa: {  	[smem:$0x7FF] =	sst s4;
	s1 =	sadd.s32 $0x800, s1;
	s9 =	smul.u32 $0x64, s11  }
0xb: {  	p0 =	slt.u32 s11, $0xD;
	s22 =	smul.u32 $0x12C00, s11;
	s11 =	sshll.u32 s11, $0x6  }
0xc: {  	s26 =	sshrl.u32 s3, $0x3;
	s6 =	sor.u32 s5, s6;
	_ =	strace $0x80000047  }
0xd: {  	s7 =	ssub.s32 $0x2, s5;
	[dreg:$0x5] =	wrdreg s1;
	s10 =	smul.u32 $0x32, s5  }
0xe: {  	s5 =	smul.u32 $0x9600, s5;
	s23 =	sor.u32 $0x1C06, s11;
	[dreg:$0xb] =	wrdreg s26  }
0xf: {  	s8 =	smul.u32 $0x32, s6;
	s21 =	sshrl.u32 s7, $0x1;
	s6 =	simm.s32 $0x8  }
0x10: {  	s9 =	sadd.s32 s9, s0;
	[dreg:$0x7] =	wrdreg s23;
	s23 =	simm.s32 $0x310  }
0x11: {  	s1 =	ssub.s32 s7, s21;
	s6 =	simm.s32 @!p0 $0x7;
	s24 =	sadd.s32 s10, s9  }
0x12: {  	s25 =	sadd.s32 s5, s22;
	s21 =	simm.s32 $0xF920;
	s22 =	simm.s32 $0x10  }
.Ltmp0:
0x13: {  	s5 =	simm.s32 $0x180;
	s7 =	simm.s32 $0x9320;
	(pc) =	sbr.rel .LBB2_1-.Ltmp0, $4  }
0x14: {  	s0 =	sadd.s32 s0, s8;
	s1 =	smax.u32 s1, $0x1;
	[dreg:$0xa] =	wrdreg s25  }
0x15: {  	s25 =	simm.s32 $0x1;
	s8 =	simm.s32 $0x0;
	[dreg:$0x6] =	wrdreg s0  }
0x16: {  	[dreg:$0x8] =	wrdreg s1;
	s0 =	sadd.s32 $0x640, s24;
	s24 =	simm.s32 $0x12920  }
0x17: {  	s1 =	simm.s32 $0x6320;
	[dreg:$0x9] =	wrdreg s0;
	s0 =	simm.s32 $0x100  }
.LBB2_10:
0x18: {  	s9 =	simm.s32 $0x4  }
0x19: {  	_ =	swait.ge [sflag:s9], $0x9600  }
0x1a: {  	[sflag:s9] =	ssyncset.done $0x0  }
0x1b: {  	[sflag:s9] =	ssyncadd.s32 $0xFFFF6A00  }
0x1c: {  	_ =	swait.ge [sflag:s28], $0x9600  }
0x1d: {  	s8 =	sadd.s32 $0x1, s8;
	s26 =	rddreg [dreg:$0x8]  }
0x1e: {  	p0 =	sne.s32 s8, s26  }
.Ltmp1:
0x1f: {  	_ = 	snop;
	(pc) =	sbr.rel @!p0 .LBB2_11-.Ltmp1, $3  }
0x20: {  	_ =	sdelay $0x1  }
0x21: {  	[sflag:s28] =	ssyncset.done $0x0  }
0x22: {  	[sflag:s28] =	ssyncadd.s32 $0xFFFF6A00  }
.LBB2_1:
0x23: {  	s9 =	rddreg [dreg:$0x6]  }
0x24: {  	s13 =	rddreg [dreg:$0x5]  }
0x25: {  	s10 =	rddreg [dreg:$0x7]  }
0x26: {  	[tilespmem:s4], [sflag:$0x2] =	stream.linear.gather [hbm4b:s9+s4], $0x190, $0x38;
	[tilespmem:$0x13188] =	vst v63  }
.Ltmp2:
0x27: {  	s11 =	rddreg [dreg:$0xb];
	s26 =	simm.s32 $0x6;
	(pc) =	sbr.rel .LBB2_2-.Ltmp2, $4  }
0x28: {  	[spmem:s11], [sflag:s10] =	dma.local [hbm:s13], $0x4C8  }
0x29: {  	_ =	swait.ge [sflag:s26], $0x4C8  }
0x2a: {  	[sflag:s26] =	ssyncset.done $0x0;
	s11 =	rddreg [dreg:$0xa]  }
0x2b: {  	s12 =	simm.s32 $0x0;
	s10 =	rddreg [dreg:$0x9];
	[sflag:s26] =	ssyncadd.s32 $0xFFFFFB38  }
.LBB2_5:
0x2c: {  	[tilespmem:s4], [sflag:$0x2] =	stream.linear.gather [hbm4b:s10+s4], $0x190, $0x38;
	[tilespmem:$0x13188] =	vst v63  }
.LBB2_8:
0x2d: {  	p0 =	slt.u32 s12, $0x2  }
0x2e: {  	s12 =	simm.s32 @!p0 $0x5  }
0x2f: {  	_ =	swait.ge @!p0 [sflag:s12], $0x9600  }
0x30: {  	[sflag:s12] =	ssyncset.done @!p0 $0x0  }
0x31: {  	[sflag:s12] =	ssyncadd.s32 @!p0 $0xFFFF6A00  }
0x32: {  	_ =	swait.ge [sflag:s15], $0x190  }
0x33: {  	[sflag:s15] =	ssyncset.done $0x0  }
0x34: {  	[sflag:s15] =	ssyncadd.s32 $0xFFFFFE70  }
0x35: {  	[tilespmem:s17], [sflag:$0x1] =	stream.indirect.gather [spmem:s3], $0x60, s14, s16, $0xb8;
	[tilespmem:$0x13188] =	vst v63  }
0x36: {  	_ = 	snop  }
0x37: {  	[tilespmem:s19], [sflag:$0x1] =	stream.indirect.gather [spmem:s3], $0x60, s18, s16, $0xb8;
	[tilespmem:$0x13188] =	vst v63  }
0x38: {  	_ = 	snop  }
0x39: {  	[tilespmem:s21], [sflag:$0x1] =	stream.indirect.gather [spmem:s3], $0x60, s20, s16, $0xb8;
	[tilespmem:$0x13188] =	vst v63  }
0x3a: {  	_ = 	snop  }
0x3b: {  	[tilespmem:s24], [sflag:$0x1] =	stream.indirect.gather [spmem:s3], $0x60, s23, s22, $0xb8;
	[tilespmem:$0x13188] =	vst v63  }
0x3c: {  	_ =	swait.ge [sflag:s25], $0x3000  }
0x3d: {  	[sflag:s25] =	ssyncset.done $0x0  }
0x3e: {  	[sflag:s25] =	ssyncadd.s32 $0xFFFFD000  }
0x3f: {  	_ =	swait.ge [sflag:s25], $0x3000  }
0x40: {  	[sflag:s25] =	ssyncset.done $0x0  }
0x41: {  	[sflag:s25] =	ssyncadd.s32 $0xFFFFD000  }
0x42: {  	_ =	swait.ge [sflag:s25], $0x3000  }
0x43: {  	[sflag:s25] =	ssyncset.done $0x0  }
0x44: {  	[sflag:s25] =	ssyncadd.s32 $0xFFFFD000  }
0x45: {  	_ =	swait.ge [sflag:s25], $0x600  }
0x46: {  	s26 =	sshrl.u32 s11, $0x3;
	[sflag:s25] =	ssyncset.done $0x0  }
0x47: {  	s12 =	sadd.s32 s2, s26;
	[sflag:s25] =	ssyncadd.s32 $0xFFFFFA00  }
0x48: {  	[hbm4b:s12+s4] =	stream.linear.scatter [tilespmem:s17], [sflag:$0x5], $0x9600, $0x38;
	[tilespmem:$0x13188] =	vst v63  }
.LBB2_9:
0x49: {  	p0 =	sne.s32 s6, s9  }
.Ltmp3:
0x4a: {  	_ = 	snop;
	(pc) =	sbr.rel @!p0 .LBB2_10-.Ltmp3, $2  }
0x4b: {  	_ =	sdelay $0x2  }
0x4c: {  	s10 =	sadd.s32 $0x640, s10;
	s11 =	sadd.s32 $0x12C000, s11;
	s12 =	smov.u32 s9  }
.LBB2_2:
0x4d: {  	s9 =	sadd.s32 $0x1, s12  }
0x4e: {  	p1 =	sge.u32 s9, s6  }
.Ltmp4:
0x4f: {  	_ = 	snop;
	(pc) =	sbr.rel @p1 .LBB2_6-.Ltmp4, $3  }
0x50: {  	_ =	sdelay $0x1  }
0x51: {  	s13 =	sand.u32 $0x1, s12  }
0x52: {  	p0 =	seq.s32 s13, $0x1  }
.Ltmp5:
0x53: {  	(pc) =	sbr.rel @p0 .LBB2_5-.Ltmp5, $1  }
0x54: {  	_ =	sdelay $0x3  }
.Ltmp6:
0x55: {  	(pc) =	sbr.rel .LBB2_7-.Ltmp6, $3  }
0x56: {  	_ =	sdelay $0x1  }
0x57: {  	s13 =	simm.s32 $0x0  }
0x58: {  	[tilespmem:s14], [sflag:$0x3] =	stream.linear.gather [hbm4b:s10+s13], $0x190, $0x38;
	[tilespmem:$0x13188] =	vst v63  }
.LBB2_6:
.Ltmp7:
0x59: {  	(pc) =	sbr.rel @p0 .LBB2_8-.Ltmp7, $1  }
0x5a: {  	_ =	sdelay $0x3  }
.LBB2_7:
0x5b: {  	p0 =	slt.u32 s12, $0x2  }
0x5c: {  	s26 =	simm.s32 @!p0 $0x4  }
0x5d: {  	_ =	swait.ge @!p0 [sflag:s26], $0x9600  }
0x5e: {  	[sflag:s26] =	ssyncset.done @!p0 $0x0  }
0x5f: {  	[sflag:s26] =	ssyncadd.s32 @!p0 $0xFFFF6A00  }
0x60: {  	_ =	swait.ge [sflag:s29], $0x190  }
0x61: {  	[sflag:s29] =	ssyncset.done $0x0  }
0x62: {  	[sflag:s29] =	ssyncadd.s32 $0xFFFFFE70  }
0x63: {  	[tilespmem:s30], [sflag:$0x1] =	stream.indirect.gather [spmem:s3], $0x60, s4, s16, $0xb8;
	[tilespmem:$0x13188] =	vst v63  }
0x64: {  	_ = 	snop  }
0x65: {  	[tilespmem:s31], [sflag:$0x1] =	stream.indirect.gather [spmem:s3], $0x60, s16, s16, $0xb8;
	[tilespmem:$0x13188] =	vst v63  }
0x66: {  	_ = 	snop  }
0x67: {  	[tilespmem:s1], [sflag:$0x1] =	stream.indirect.gather [spmem:s3], $0x60, s0, s16, $0xb8;
	[tilespmem:$0x13188] =	vst v63  }
0x68: {  	_ = 	snop  }
0x69: {  	[tilespmem:s7], [sflag:$0x1] =	stream.indirect.gather [spmem:s3], $0x60, s5, s22, $0xb8;
	[tilespmem:$0x13188] =	vst v63  }
0x6a: {  	_ =	swait.ge [sflag:s25], $0x3000  }
0x6b: {  	[sflag:s25] =	ssyncset.done $0x0  }
0x6c: {  	[sflag:s25] =	ssyncadd.s32 $0xFFFFD000  }
0x6d: {  	_ =	swait.ge [sflag:s25], $0x3000  }
0x6e: {  	[sflag:s25] =	ssyncset.done $0x0  }
0x6f: {  	[sflag:s25] =	ssyncadd.s32 $0xFFFFD000  }
0x70: {  	_ =	swait.ge [sflag:s25], $0x3000  }
0x71: {  	p0 =	seq.s32 s13, $0x0;
	[sflag:s25] =	ssyncset.done $0x0  }
.Ltmp8:
0x72: {  	[sflag:s25] =	ssyncadd.s32 $0xFFFFD000;
	(pc) =	sbr.rel @!p0 .LBB2_8-.Ltmp8, $4  }
.Ltmp9:
0x73: {  	_ =	swait.ge [sflag:s25], $0x600;
	(pc) =	sbr.rel @p0 .LBB2_9-.Ltmp9, $4  }
0x74: {  	s26 =	sshrl.u32 s11, $0x3;
	[sflag:s25] =	ssyncset.done $0x0  }
0x75: {  	s26 =	sadd.s32 s2, s26;
	[sflag:s25] =	ssyncadd.s32 $0xFFFFFA00  }
0x76: {  	[hbm4b:s26+s4] =	stream.linear.scatter [tilespmem:s30], [sflag:$0x4], $0x9600, $0x38;
	[tilespmem:$0x13188] =	vst v63  }
0x77: {  	_ = 	snop  }
.LBB2_11:
0x78: {  	_ =	sfence.sel $0x180000  }
0x79: {  	[bflag:$0x0] =	sbarrier.arrive $0xFFFF  }
0x7a: {  	_ =	strace $0x90000047  }
0x7b: {  	s0 =	stileid.u32;
	[bflag:$0x2] =	sbarrier.arrive $0xFFFF  }
0x7c: {  	p0 =	sne.s32 s0, $0x0;
	s0 =	rddreg [dreg:$0x4]  }
0x7d: {  	s0 =	sadd.s32 @!p0 $0x100000, s0  }
0x7e: {  	[sflag:s0] =	ssyncadd.tile.s32 @!p0 $0x1;
	_ =	shalt  }
.Lfunc_end2:
_tile_overlayer_lowered:
.L_overlay_start_2:
0x7f: {  	(tag) =	ssettag $0x2  }
0x80: {  	s0 =	rddreg [dreg:$0x0];
	s2 =	stileid.u32  }
0x81: {  	s1 =	rddreg [dreg:$0x1];
	p0 =	sne.s32 s2, $0x0  }
0x82: {  	s3 =	rddreg [dreg:$0x2];
	[bflag:$0x3] =	sbarrier.arrive $0xFFFF;
	s2 =	simm.s32 @!p0 $0x1C06  }
0x83: {  	[timem:s3], [sflag:s2] =	dma.local @!p0 [hbm:s0], s1  }
0x84: {  	s0 =	simm.s32 @!p0 $0x6  }
0x85: {  	_ =	swait.ge @!p0 [sflag:s0], s1  }
0x86: {  	s1 =	ssub.s32 @!p0 $0x0, s1;
	[sflag:s0] =	ssyncset.done @!p0 $0x0  }
0x87: {  	[sflag:s0] =	ssyncadd.s32 @!p0 s1  }
0x88: {  	[bflag:$0x3] =	sbarrier.arrive $0xFFFF  }
0x89: {  	_ =	shalt  }

// kernel: sparse-core-data-format-call.cloned.1.call-start
scs
called_computation_lowered:
.L_overlay_start_0:
0x0: {  	s2 =	sld [smem:$0x3FD9]  }
0x1: {  	s3 =	sld [smem:$0x3FFE];
	_ =	sdelay $0x1  }
0x2: {  	s1 =	srdreg.scid  }
0x3: {  	s0 =	sand.u32 $0x1, s1  }
0x4: {  	s18 =	sshll.u32 s0, $0xA;
	s2 =	sadd.s32 s3, s2  }
0x5: {  	s2 =	sadd.s32 s2, s18  }
0x6: {  	[smem:$0x3FC6] =	sst s2  }
0x7: {  	_ = 	snop  }
0x8: {  	s2 =	sld [smem:$0x3FD0];
	(tm) =	ssettm $0x1  }
0x9: {  	s19 =	sld [smem:$0x3FFB];
	_ =	sdelay $0x3  }
0xa: {  	_ =	strace s19  }
0xb: {  	s3 =	sld [smem:$0x3FFC];
	_ =	sdelay $0x3  }
0xc: {  	_ =	strace s3  }
0xd: {  	s3 =	sld [smem:$0x3FFD];
	_ =	sdelay $0x3  }
0xe: {  	_ =	strace s3  }
0xf: {  	_ =	strace $0x8FFFFFFF  }
0x10: {  	s20 =	sld [smem:$0x3FDB];
	_ =	sdelay $0x1  }
0x11: {  	s4 =	simm.s32 $_scs_section_size  }
0x12: {  	s5 =	simm.s32 $_size__tile_overlayer_lowered;
	s6 =	simm.s32 $_tile_overlayer_lowered  }
0x13: {  	s23 =	simm.s32 $0x1BFF;
	s22 =	sshll.u32 s6, $0x1;
	s3 =	sadd.s32 s4, s20  }
0x14: {  	s7 =	simm.s32 $0x0;
	s21 =	sshll.u32 s5, $0x1;
	s5 =	sadd.s32 s22, s3  }
0x15: {  	[timem:s7], [sflag:s23] =	dma.local [hbm:s5], s21  }
0x16: {  	_ =	swait.ge [sflag:s23], s21  }
0x17: {  	s4 =	ssub.s32 $0x0, s21;
	[sflag:s23] =	ssyncset.done $0x0  }
0x18: {  	[sflag:s23] =	ssyncadd.s32 s4;
	_ =	sdelay $0x1  }
0x19: {  	s24 =	simm.s32 $0x1B8B  }
0x1a: {  	_ =	swait.ge [sflag:s24], $0x1  }
0x1b: {  	[sflag:s24] =	ssyncset.done $0x0  }
0x1c: {  	s26 =	simm.s32 $0x1B8E;
	s25 =	sld [smem:$0x3FFE];
	[sflag:s24] =	ssyncadd.s32 $0xFFFFFFFF  }
0x1d: {  	s27 =	simm.s32 $execute0_lowered;
	[smem:$0x3FD2] =	sst s26  }
0x1e: {  	s5 =	sshll.u32 s27, $0x1;
	_ =	strace $0x80000049;
	[dreg:$0x1] =	wrdreg $0xFFFFFFFF  }
0x1f: {  	s28 =	simm.s32 $_size_execute0_lowered;
	s3 =	sadd.s32 s3, s5;
	[dreg:$0x0] =	wrdreg $0x0  }
0x20: {  	s5 =	sshll.u32 s28, $0x1;
	[dreg:$0x2] =	wrdreg s3  }
0x21: {  	[dreg:$0x3] =	wrdreg s5  }
0x22: {  	[dreg:$0x4] =	wrdreg $0xC0  }
0x23: {  	_ =	task [dreg:s7], $0x5FFFF  }
0x24: {  	[dreg:$0x1] =	wrdreg $0xFFFFFFFF  }
0x25: {  	[dreg:$0x0] =	wrdreg $0x60  }
0x26: {  	[dreg:$0x2] =	wrdreg s25  }
0x27: {  	[dreg:$0x3] =	wrdreg s2  }
0x28: {  	[dreg:$0x4] =	wrdreg $0x9  }
0x29: {  	_ =	task.clear_ibuf [dreg:s7], $0x5FFFF;
	_ =	strace $0x90000049  }
0x2a: {  	s29 =	simm.s32 $0x9;
	_ =	strace $0x8000004B  }
0x2b: {  	_ =	swait.ge [sflag:s29], $0x1  }
0x2c: {  	[sflag:s29] =	ssyncadd.s32 $0xFFFFFFFF  }
0x2d: {  	_ =	strace $0x9000004B  }
0x2e: {  	_ =	sfence  }
0x2f: {  	s30 =	sld [smem:$0x0];
	_ =	sdelay $0x2  }
0x30: {  	s31 =	sshll.u32 s1, $0xD;
	s1 =	sshrl.u32 s1, $0x2  }
0x31: {  	s3 =	sand.u32 $0x4000, s31;
	s1 =	sadd.s32 s1, s30  }
0x32: {  	s0 =	sor.u32 s3, s0;
	s1 =	sshll.u32 s1, $0x11  }
0x33: {  	s0 =	sor.u32 s1, s0  }
0x34: {  	s0 =	sadd.s32 $0x8F2B, s0  }
0x35: {  	[sflag:s0] =	ssyncadd.remote.s32 $0x1  }
0x36: {  	_ =	sfence.sel $0xFFFF  }
0x37: {  	[dreg:$0x0] =	wrdreg $0xFFFFFFFF;
	(pc) =	sbr.abs _section_cstart, $3  }
0x38: {  	[dreg:$0x1] =	wrdreg $0xFFFFFFFF  }
0x39: {  	_ =	task.clear_ibuf [dreg:s7], $0x2FFFF;
	_ =	strace $0x9FFFFFFF  }
0x3a: {  	(tm) =	ssettm $0x7FFFFFFF  }
0x3b: {  	_ =	shalt  }
tec
execute0_lowered:
.L_overlay_start_1:
0x0: {  	(tag) =	ssettag $0x1  }
0x1: {  	s4 =	rddreg [dreg:$0x0]  }
0x2: {  	s0 =	srdreg.scid;
	s2 =	rddreg [dreg:$0x1]  }
0x3: {  	s1 =	stileid.u32;
	s5 =	simm.s32 $0x1;
	s0 =	sshll.u32 s0, $0x4  }
0x4: {  	s7 =	simm.s32 $0x2;
	s12 =	simm.s32 $0x0;
	s3 =	sand.u32 $0x10, s0  }
.Ltmp0:
0x5: {  	s8 =	simm.s32 $0xC3800;
	s3 =	sor.u32 s1, s3;
	(pc) =	sbr.rel .LBB1_1-.Ltmp0, $4  }
0x6: {  	s10 =	simm.s32 $0x0;
	s11 =	simm.s32 $0x0;
	s3 =	sshll.u32 s3, $0x7  }
0x7: {  	s0 =	rddreg [dreg:$0x2];
	_ =	strace $0x8000004A;
	s6 =	ssub.s32 $0x18680, s3  }
0x8: {  	s4 =	sadd.s32 $0x800, s4;
	[sflag:s5] =	ssyncpa.u1 $0x0;
	s6 =	sshrl.u32 s6, $0xC  }
0x9: {  	[sflag:s7] =	ssyncpa.u1 $0x0;
	s9 =	smov.u32 s3;
	s7 =	sadd.s32 $0x2, s6  }
.LBB1_5:
0xa: {  	[tilespmem:s20+$0x0 ss:$0x81] =	vst.msk $0xffff, v1  }
0xb: {  	[tilespmem:s19+$0x0 ss:$0x81] =	vst.msk $0xffff, v2  }
.LBB1_6:
0xc: {  	s15 =	sshll.u32 s10, $0x3  }
0xd: {  	s15 =	sand.u32 $0xFFFFFC00, s15  }
0xe: {  	s17 =	smulhi.u32 $0xA79C7B17, s15;
	_ =	sdelay $0x1  }
0xf: {  	s16 =	sand.u32 $0x7F, s10;
	s17 =	sshrl.u32 s17, $0x10  }
0x10: {  	s15 =	sor.u32 s16, s15;
	s18 =	smul.u32 $0xAAAB, s17  }
0x11: {  	p0 =	sgt.s32 s10, $0x18680;
	s19 =	smov.u32 s10;
	s16 =	smulhi.u32 $0xA79C7B17, s15  }
0x12: {  	s19 =	simm.s32 @!p0 $0x18680;
	s18 =	sshrl.u32 s18, $0x16  }
0x13: {  	s13 =	sadd.s32 s13, s19;
	s16 =	sshrl.u32 s16, $0x10;
	s18 =	smul.u32 $0x60, s18  }
0x14: {  	s30 =	sadd.s32 $0xFFFE7980, s13;
	s16 =	smul.u32 $0x18700, s16  }
0x15: {  	s13 =	ssub.s32 $0x18700, s13;
	p0 =	sgt.s32 s30, $0x7F;
	s29 =	ssub.s32 s17, s18  }
0x16: {  	s13 =	smul.u32 $0x180, s13;
	s15 =	ssub.s32 s15, s16;
	s16 =	sand.u32 $0xFFFF, s29  }
0x17: {  	s31 =	sshrl.u32 s15, $0x3;
	s15 =	sand.u32 $0x7, s15;
	s16 =	smul.u32 $0x30E0, s16  }
0x18: {  	s13 =	sshrl.u32 s13, $0x2;
	s17 =	sadd.s32 s2, s31;
	s15 =	sshll.u32 s15, $0x12  }
0x19: {  	s13 =	simm.s32 @p0 $0x0;
	s15 =	sor.u32 $0x400, s15;
	s16 =	sadd.s32 s16, s17  }
0x1a: {  	[hbm4b:s16+s15] =	stream.strided.scatter [tilespmem:s14], [sflag:$0x2], s13, s8, s15, $0x20;
	[tilespmem:$0x10100] =	vst v63  }
.LBB1_7:
0x1b: {  	p0 =	slt.u32 s11, $0x2  }
0x1c: {  	p1 =	sgt.s32 @!p0 s12, $0x18680  }
0x1d: {  	s13 =	smov.u32 s12;
	s14 =	sshra.s32 @!p0 s12, $0x1F;
	p1 =	por !p1, p0  }
0x1e: {  	s12 =	sand.u32 @!p0 s14, s12;
	s13 =	simm.s32 @p1 $0x18680  }
0x1f: {  	s12 =	ssub.s32 @!p0 s13, s12  }
0x20: {  	s13 =	ssub.s32 @!p0 $0x18700, s12  }
0x21: {  	s12 =	sadd.s32 @!p0 $0xFFFE7980, s12;
	s13 =	smul.u32 @!p0 $0x180, s13  }
0x22: {  	p1 =	sgt.s32 @!p0 s12, $0x7F  }
0x23: {  	s14 =	sadd.s32 $0x1000, s9;
	p1 =	por !p1, p0;
	s12 =	sshrl.u32 @!p0 s13, $0x2  }
0x24: {  	s12 =	simm.s32 @!p1 $0x0;
	p1 =	sgt.s32 s14, $0x1869F  }
0x25: {  	s14 =	smov.u32 @p1 s3;
	p1 =	sne.s32 s11, s7  }
.Ltmp1:
0x26: {  	_ = 	snop;
	(pc) =	sbr.rel @!p1 .LBB1_8-.Ltmp1, $4  }
0x27: {  	s13 =	simm.s32 @!p0 $0x2  }
0x28: {  	_ =	swait.ge @!p0 [sflag:s13], s12;
	s15 =	ssub.s32 @!p0 $0x0, s12  }
0x29: {  	s12 =	smov.u32 s10;
	s11 =	sadd.s32 $0x1, s11;
	[sflag:s13] =	ssyncset.done @!p0 $0x0  }
0x2a: {  	s10 =	smov.u32 s9;
	s9 =	smov.u32 s14;
	[sflag:s13] =	ssyncadd.s32 @!p0 s15  }
.LBB1_1:
0x2b: {  	p0 =	sgt.u32 s11, s6  }
0x2c: {  	s13 =	sand.u32 @!p0 $0x1FFFFFF, s9  }
0x2d: {  	p1 =	sgt.s32 @!p0 s9, $0x18620;
	s14 =	smulhi.u32 @!p0 $0x14F8B59, s13  }
0x2e: {  	s15 =	smov.u32 s9;
	s16 =	sshra.s32 @!p0 s9, $0x1F;
	p1 =	por !p1, p0  }
0x2f: {  	s16 =	sand.u32 @!p0 s16, s9;
	s15 =	simm.s32 @p1 $0x18620;
	s14 =	sshrl.u32 @!p0 s14, $0x9  }
0x30: {  	s15 =	ssub.s32 @!p0 s15, s16;
	s14 =	smul.u32 @!p0 $0x186A0, s14  }
0x31: {  	s16 =	sxor.u32 @!p0 $0xFFFFFFFF, s11;
	s15 =	sadd.s32 @!p0 $0xFFFE79E0, s15  }
0x32: {  	s16 =	sshll.u32 @!p0 s16, $0xE;
	s13 =	ssub.s32 @!p0 s13, s14;
	s14 =	sshll.u32 @!p0 s15, $0x9  }
0x33: {  	s16 =	sand.u32 @!p0 $0x4000, s16;
	p1 =	sgt.s32 @!p0 s15, $0x7F;
	s14 =	ssub.s32 @!p0 $0x10000, s14  }
0x34: {  	p1 =	por !p1, p0;
	s13 =	sshll.u32 @!p0 s13, $0x4;
	s14 =	sshrl.u32 @!p0 s14, $0x2  }
0x35: {  	s15 =	simm.s32 @!p0 $0x0;
	s13 =	sadd.s32 @!p0 s4, s13;
	s14 =	simm.s32 @!p1 $0x0  }
0x36: {  	[tilespmem:s16], [sflag:$0x1] =	stream.linear.gather @!p0 [hbm4b:s13+s15], s14, $0x38;
	[tilespmem:$0x10100] =	vst v63  }
0x37: {  	p0 =	seq.s32 s11, $0x0  }
0x38: {  	p1 =	sge.u32 @!p0 s11, s7  }
0x39: {  	p0 =	por p0, p1  }
.Ltmp2:
0x3a: {  	_ = 	snop;
	(pc) =	sbr.rel @p0 .LBB1_7-.Ltmp2, $1  }
0x3b: {  	_ =	sdelay $0x3  }
0x3c: {  	s13 =	ssub.s32 $0x0, s10  }
0x3d: {  	s14 =	sshra.s32 s10, $0x1F;
	p0 =	sgt.s32 s10, $0x18620;
	s15 =	smov.u32 s10  }
0x3e: {  	s13 =	sand.u32 s13, s14;
	s15 =	simm.s32 @!p0 $0x18620  }
0x3f: {  	s14 =	sadd.s32 s13, s15  }
0x40: {  	s17 =	sadd.s32 $0x80, s10;
	s14 =	sadd.s32 $0xFFFE79E0, s14  }
0x41: {  	p1 =	slt.s32 s17, $0x186A0;
	s31 =	sshll.u32 s14, $0x9  }
0x42: {  	s17 =	simm.s32 @!p1 $0x186A0;
	s15 =	ssub.s32 $0x10000, s31  }
0x43: {  	p0 =	sgt.s32 s14, $0x7F;
	s14 =	sshrl.u32 s15, $0x2;
	s15 =	ssub.s32 s17, s10  }
0x44: {  	s14 =	simm.s32 @p0 $0x0;
	p0 =	slt.s32 s15, $0x1  }
.Ltmp3:
0x45: {  	_ = 	snop;
	(pc) =	sbr.rel @p0 .LBB1_6-.Ltmp3, $4  }
0x46: {  	s16 =	sand.u32 $0x1, s11  }
0x47: {  	s18 =	smul.u32 $0x4080, s16;
	_ =	swait.ge [sflag:s5], s14  }
0x48: {  	s14 =	ssub.s32 $0x0, s14;
	[sflag:s5] =	ssyncset.done $0x0  }
0x49: {  	[sflag:s5] =	ssyncadd.s32 s14;
	s14 =	sor.u32 $0x8000, s18  }
0x4a: {  	s17 =	sshll.u32 s16, $0xE  }
0x4b: {  	v0 =	vmov s17  }
0x4c: {  	s16 =	simm.s32 $0x0;
	s18 =	simm.s32 $0x0;
	p0 =	sne.s32 s15, $0x1  }
0x4d: {  	s20 =	simm.s32 $0x10;
	s22 =	simm.s32 $0x20;
	s23 =	simm.s32 $0x30  }
0x4e: {  	s24 =	simm.s32 $0x50;
	s17 =	simm.s32 $0x1;
	s18 =	sand.u32 $0x78, s18  }
0x4f: {  	s19 =	sand.u32 $0x3F80, s16;
	s21 =	sxor.u32 $0x40, s18;
	s18 =	smul.u32 $0x204, s18  }
0x50: {  	s20 =	sand.u32 $0x78, s20;
	s22 =	sand.u32 $0x78, s22;
	s21 =	smul.u32 $0x204, s21;
	v1 =	vld.idx.msk [tilespmem:v0+s19+$0x40 ss:$0x1], $0xffff  }
0x51: {  	s23 =	sand.u32 $0x78, s23;
	s24 =	sand.u32 $0x78, s24;
	s20 =	smul.u32 $0x204, s20;
	v2 =	vld.idx.msk [tilespmem:v0+s19+$0x0 ss:$0x1], $0xffff  }
0x52: {  	s25 =	sand.u32 $0x7F, s16;
	s22 =	smul.u32 $0x204, s22;
	s21 =	sshrl.u32 s21, $0x2  }
0x53: {  	s23 =	smul.u32 $0x204, s23;
	s18 =	sshrl.u32 s18, $0x2;
	v3 =	vld.idx.msk [tilespmem:v0+s19+$0x10 ss:$0x1], $0xffff;
	s21 =	sadd.s32 s21, s14  }
0x54: {  	s24 =	smul.u32 $0x204, s24;
	s18 =	sadd.s32 s18, s14;
	v4 =	vld.idx.msk [tilespmem:v0+s19+$0x20 ss:$0x1], $0xffff;
	s21 =	sadd.s32 s25, s21  }
.Ltmp4:
0x55: {  	s20 =	sshrl.u32 s20, $0x2;
	s18 =	sadd.s32 s25, s18;
	[tilespmem:s21+$0x0 ss:$0x81] =	vst.msk $0xffff, v1;
	v1 =	vld.idx.msk [tilespmem:v0+s19+$0x30 ss:$0x1], $0xffff;
	(pc) =	sbr.rel @!p0 .LBB1_5-.Ltmp4, $4  }
0x56: {  	s22 =	sshrl.u32 s22, $0x2;
	s27 =	sshrl.u32 s23, $0x2;
	s20 =	sadd.s32 s20, s14;
	[tilespmem:s18+$0x0 ss:$0x81] =	vst.msk $0xffff, v2;
	v2 =	vld.idx.msk [tilespmem:v0+s19+$0x50 ss:$0x1], $0xffff  }
0x57: {  	s29 =	sshrl.u32 s24, $0x2;
	s26 =	sadd.s32 s22, s14;
	s28 =	sadd.s32 s25, s20  }
0x58: {  	s22 =	sadd.s32 s27, s14;
	s31 =	sadd.s32 s29, s14;
	s30 =	sadd.s32 s25, s26;
	[tilespmem:s28+$0x0 ss:$0x81] =	vst.msk $0xffff, v3  }
0x59: {  	s20 =	sadd.s32 s25, s22;
	[tilespmem:s30+$0x0 ss:$0x81] =	vst.msk $0xffff, v4;
	s19 =	sadd.s32 s25, s31;
	s18 =	simm.s32 $0x2808  }
.LBB1_4:
0x5a: {  	s21 =	sadd.s32 $0xFFFFD800, s18;
	s22 =	sadd.s32 $0xFFFFE000, s18;
	[tilespmem:s20+$0x0 ss:$0x81] =	vst.msk $0xffff, v1;
	s20 =	smov.u32 s17  }
0x5b: {  	s17 =	sadd.s32 $0x1, s17;
	s16 =	sadd.s32 $0x80, s16;
	s23 =	sadd.s32 $0xFFFFE800, s18  }
0x5c: {  	s24 =	sadd.s32 $0xFFFFF000, s18;
	s21 =	sshrl.u32 s21, $0x7;
	p0 =	sne.s32 s15, s17;
	[tilespmem:s19+$0x0 ss:$0x81] =	vst.msk $0xffff, v2  }
0x5d: {  	s26 =	sshrl.u32 s18, $0x7;
	s19 =	sand.u32 $0x3F80, s16;
	s21 =	sand.u32 $0x78, s21  }
0x5e: {  	s22 =	sshrl.u32 s22, $0x7;
	s23 =	sshrl.u32 s23, $0x7;
	v3 =	vld.idx.msk [tilespmem:v0+s19+$0x40 ss:$0x1], $0xffff;
	s25 =	sxor.u32 $0x40, s21  }
0x5f: {  	s24 =	sshrl.u32 s24, $0x7;
	s26 =	sand.u32 $0x78, s26;
	v4 =	vld.idx.msk [tilespmem:v0+s19+$0x0 ss:$0x1], $0xffff;
	s25 =	smul.u32 $0x204, s25  }
0x60: {  	s27 =	sand.u32 $0x7F, s20;
	s22 =	sand.u32 $0x78, s22;
	s23 =	sand.u32 $0x78, s23;
	v5 =	vld.idx.msk [tilespmem:v0+s19+$0x10 ss:$0x1], $0xffff  }
0x61: {  	s24 =	sand.u32 $0x78, s24;
	s20 =	smul.u32 $0x204, s21;
	v6 =	vld.idx.msk [tilespmem:v0+s19+$0x20 ss:$0x1], $0xffff;
	s25 =	sshrl.u32 s25, $0x2  }
0x62: {  	s22 =	smul.u32 $0x204, s22;
	v1 =	vld.idx.msk [tilespmem:v0+s19+$0x30 ss:$0x1], $0xffff;
	s21 =	sadd.s32 s25, s14  }
0x63: {  	s21 =	sadd.s32 s27, s21;
	v2 =	vld.idx.msk [tilespmem:v0+s19+$0x50 ss:$0x1], $0xffff;
	s19 =	sshrl.u32 s20, $0x2;
	s20 =	smul.u32 $0x204, s23  }
0x64: {  	s23 =	smul.u32 $0x204, s26;
	[tilespmem:s21+$0x0 ss:$0x81] =	vst.msk $0xffff, v3  }
0x65: {  	s19 =	sadd.s32 s19, s14;
	s21 =	sshrl.u32 s22, $0x2;
	s22 =	smul.u32 $0x204, s24  }
.Ltmp5:
0x66: {  	s21 =	sadd.s32 s21, s14;
	s20 =	sshrl.u32 s20, $0x2;
	(pc) =	sbr.rel @p0 .LBB1_4-.Ltmp5, $4  }
0x67: {  	s19 =	sadd.s32 s27, s19;
	s20 =	sadd.s32 s20, s14;
	s22 =	sshrl.u32 s22, $0x2  }
0x68: {  	[tilespmem:s19+$0x0 ss:$0x81] =	vst.msk $0xffff, v4;
	s19 =	sadd.s32 s27, s21;
	s21 =	sadd.s32 s22, s14;
	s22 =	sshrl.u32 s23, $0x2  }
0x69: {  	[tilespmem:s19+$0x0 ss:$0x81] =	vst.msk $0xffff, v5;
	s19 =	sadd.s32 s27, s20;
	s20 =	sadd.s32 s27, s21;
	s21 =	sadd.s32 s22, s14  }
0x6a: {  	s18 =	sadd.s32 $0x8, s18;
	[tilespmem:s19+$0x0 ss:$0x81] =	vst.msk $0xffff, v6;
	s19 =	sadd.s32 s27, s21  }
.Ltmp6:
0x6b: {  	_ = 	snop;
	(pc) =	sbr.rel .LBB1_5-.Ltmp6, $1  }
0x6c: {  	_ =	sdelay $0x3  }
.LBB1_8:
0x6d: {  	_ =	sfence.sel $0x180000  }
0x6e: {  	s2 =	simm.s32 $0x1;
	[bflag:$0x0] =	sbarrier.arrive $0xFFFF  }
0x6f: {  	s31 =	simm.s32 $0x2;
	[sflag:s2] =	ssyncpa.u1 $0x1  }
0x70: {  	[sflag:s31] =	ssyncpa.u1 $0x1  }
0x71: {  	p0 =	sne.s32 s1, $0x0;
	_ =	strace $0x9000004A  }
0x72: {  	s0 =	sadd.s32 @!p0 $0x100000, s0;
	[bflag:$0x2] =	sbarrier.arrive $0xFFFF  }
0x73: {  	[sflag:s0] =	ssyncadd.tile.s32 @!p0 $0x1;
	_ =	shalt  }
.Lfunc_end1:
_tile_overlayer_lowered:
.L_overlay_start_2:
0x74: {  	(tag) =	ssettag $0x2  }
0x75: {  	s0 =	rddreg [dreg:$0x0];
	s2 =	stileid.u32  }
0x76: {  	s1 =	rddreg [dreg:$0x1];
	p0 =	sne.s32 s2, $0x0  }
0x77: {  	s3 =	rddreg [dreg:$0x2];
	[bflag:$0x3] =	sbarrier.arrive $0xFFFF;
	s2 =	simm.s32 @!p0 $0x1C01  }
0x78: {  	[timem:s3], [sflag:s2] =	dma.local @!p0 [hbm:s0], s1  }
0x79: {  	s0 =	simm.s32 @!p0 $0x1  }
0x7a: {  	_ =	swait.ge @!p0 [sflag:s0], s1  }
0x7b: {  	s1 =	ssub.s32 @!p0 $0x0, s1;
	[sflag:s0] =	ssyncset.done @!p0 $0x0  }
0x7c: {  	[sflag:s0] =	ssyncadd.s32 @!p0 s1  }
0x7d: {  	[bflag:$0x3] =	sbarrier.arrive $0xFFFF  }
0x7e: {  	_ =	shalt  }

</sc_bundles>
